<compile_context>
chip_gen: v7x
topology: tpu7x:2x2x1
jax: 0.10.2.dev20260603
libtpu: 0.0.44.dev20260713+nightly
codegen_flags: <defaults>
</compile_context>

<pallas_src>
import functools

import jax
import jax.numpy as jnp
from jax import lax
from jax.experimental import pallas as pl
from jax.experimental.pallas import tpu as pltpu
from jax.experimental.pallas import tpu_sc as plsc

NNODE = 10000
F = 128
NP = 10240
NC, NS = 2, 16
NW = NC * NS
K = 128
CH = 79
EDGES = 320000
EP = NW * CH * K
RB = NP // NS
RB2 = 2048
GRID = NP // RB2

_mesh = plsc.VectorSubcoreMesh(
    core_axis_name="c", subcore_axis_name="s", num_cores=NC, num_subcores=NS)


def _deg_body(col_hbm, zeros_hbm, out_hbm, cidx, ones_v, degsh):
    c = lax.axis_index("c")
    s = lax.axis_index("s")
    wid = c * NS + s
    pltpu.sync_copy(zeros_hbm.at[pl.ds(s * RB, RB)], degsh.at[pl.ds(s * RB, RB)])
    for i in range(K // 16):
        ones_v[pl.ds(i * 16, 16)] = jnp.ones((16,), jnp.float32)
    plsc.subcore_barrier()
    base = wid * (CH * K)

    def body(j, carry):
        off = pl.multiple_of(base + j * K, K)
        pltpu.sync_copy(col_hbm.at[pl.ds(off, K)], cidx)
        pltpu.sync_copy(ones_v, degsh.at[cidx], add=True)
        return carry

    lax.fori_loop(0, CH, body, 0)
    plsc.subcore_barrier()
    pltpu.sync_copy(degsh.at[pl.ds(s * RB, RB)], out_hbm.at[c, pl.ds(s * RB, RB)])


_deg_kernel = pl.kernel(
    _deg_body,
    out_type=jax.ShapeDtypeStruct((NC, NP), jnp.float32),
    mesh=_mesh,
    scratch_types=[
        pltpu.VMEM((K,), jnp.int32),
        pltpu.VMEM((K,), jnp.float32),
        pltpu.VMEM_SHARED((NP,), jnp.float32),
    ],
)


def _prop_body(row_hbm, col_hbm, u_hbm, zeros_hbm, out_hbm,
               ridx, cidx, rows, accsh, sem):
    c = lax.axis_index("c")
    s = lax.axis_index("s")
    wid = c * NS + s
    pltpu.sync_copy(zeros_hbm.at[pl.ds(s * RB, RB)], accsh.at[pl.ds(s * RB, RB)])
    plsc.subcore_barrier()
    base = wid * (CH * K)

    def body(j, carry):
        off = pl.multiple_of(base + j * K, K)
        pltpu.sync_copy(row_hbm.at[pl.ds(off, K)], ridx)
        pltpu.sync_copy(col_hbm.at[pl.ds(off, K)], cidx)
        pltpu.async_copy(u_hbm.at[ridx], rows, sem).wait()
        pltpu.sync_copy(rows, accsh.at[cidx], add=True)
        return carry

    lax.fori_loop(0, CH, body, 0)
    plsc.subcore_barrier()
    pltpu.sync_copy(accsh.at[pl.ds(s * RB, RB)], out_hbm.at[c, pl.ds(s * RB, RB)])


_prop_kernel = pl.kernel(
    _prop_body,
    out_type=jax.ShapeDtypeStruct((NC, NP, F), jnp.float32),
    mesh=_mesh,
    scratch_types=[
        pltpu.VMEM((K,), jnp.int32),
        pltpu.VMEM((K,), jnp.int32),
        pltpu.VMEM((K, F), jnp.float32),
        pltpu.VMEM_SHARED((NP, F), jnp.float32),
        pltpu.SemaphoreType.DMA,
    ],
)


def _scale_body(dt_ref, x_ref, dinv_ref, u_ref):
    d = dt_ref[:, 0:1] + dt_ref[:, 1:2] + 1.0
    dinv = lax.rsqrt(d)
    dinvb = jnp.broadcast_to(dinv, (RB2, F))
    dinv_ref[...] = dinvb
    u_ref[...] = x_ref[...] * dinvb


_scale_kernel = pl.pallas_call(
    _scale_body,
    grid=(GRID,),
    in_specs=[
        pl.BlockSpec((RB2, NC), lambda i: (i, 0)),
        pl.BlockSpec((RB2, F), lambda i: (i, 0)),
    ],
    out_specs=[
        pl.BlockSpec((RB2, F), lambda i: (i, 0)),
        pl.BlockSpec((RB2, F), lambda i: (i, 0)),
    ],
    out_shape=[
        jax.ShapeDtypeStruct((NP, F), jnp.float32),
        jax.ShapeDtypeStruct((NP, F), jnp.float32),
    ],
)

_DOT_T = (((1,), (1,)), ((), ()))


def _mm1_body(acc_ref, u_ref, dinv_ref, w_ref, b_ref, u2_ref):
    sagg = acc_ref[0] + acc_ref[1] + u_ref[...]
    agg = sagg * dinv_ref[...]
    h = lax.dot_general(agg, w_ref[...], _DOT_T,
                        preferred_element_type=jnp.float32) + b_ref[...]
    u2_ref[...] = jnp.maximum(h, 0.0) * dinv_ref[...]


_mm1_kernel = pl.pallas_call(
    _mm1_body,
    grid=(GRID,),
    in_specs=[
        pl.BlockSpec((NC, RB2, F), lambda i: (0, i, 0)),
        pl.BlockSpec((RB2, F), lambda i: (i, 0)),
        pl.BlockSpec((RB2, F), lambda i: (i, 0)),
        pl.BlockSpec((F, F), lambda i: (0, 0)),
        pl.BlockSpec((1, F), lambda i: (0, 0)),
    ],
    out_specs=pl.BlockSpec((RB2, F), lambda i: (i, 0)),
    out_shape=jax.ShapeDtypeStruct((NP, F), jnp.float32),
)


def _mm2_body(acc_ref, u_ref, dinv_ref, wmu_ref, bmu_ref, wls_ref, bls_ref,
              mu_ref, ls_ref):
    sagg = acc_ref[0] + acc_ref[1] + u_ref[...]
    agg = sagg * dinv_ref[...]
    mu_ref[...] = lax.dot_general(agg, wmu_ref[...], _DOT_T,
                                  preferred_element_type=jnp.float32) + bmu_ref[...]
    ls_ref[...] = lax.dot_general(agg, wls_ref[...], _DOT_T,
                                  preferred_element_type=jnp.float32) + bls_ref[...]


_mm2_kernel = pl.pallas_call(
    _mm2_body,
    grid=(GRID,),
    in_specs=[
        pl.BlockSpec((NC, RB2, F), lambda i: (0, i, 0)),
        pl.BlockSpec((RB2, F), lambda i: (i, 0)),
        pl.BlockSpec((RB2, F), lambda i: (i, 0)),
        pl.BlockSpec((F, F), lambda i: (0, 0)),
        pl.BlockSpec((1, F), lambda i: (0, 0)),
        pl.BlockSpec((F, F), lambda i: (0, 0)),
        pl.BlockSpec((1, F), lambda i: (0, 0)),
    ],
    out_specs=[
        pl.BlockSpec((RB2, F), lambda i: (i, 0)),
        pl.BlockSpec((RB2, F), lambda i: (i, 0)),
    ],
    out_shape=[
        jax.ShapeDtypeStruct((NP, F), jnp.float32),
        jax.ShapeDtypeStruct((NP, F), jnp.float32),
    ],
)


def kernel(x, edge_index, W1, b1, Wmu, bmu, Wls, bls):
    pad = EP - EDGES
    fill = jnp.full((pad,), NNODE, jnp.int32)
    rowp = jnp.concatenate([edge_index[0], fill])
    colp = jnp.concatenate([edge_index[1], fill])
    xp = jnp.pad(x, ((0, NP - NNODE), (0, 0)))
    z1 = jnp.zeros((NP,), jnp.float32)
    z2 = jnp.zeros((NP, F), jnp.float32)

    degp = _deg_kernel(colp, z1)
    degt = degp.T
    dinvb, u1 = _scale_kernel(degt, xp)

    acc1 = _prop_kernel(rowp, colp, u1, z2)
    u2 = _mm1_kernel(acc1, u1, dinvb, W1, b1.reshape(1, F))

    acc2 = _prop_kernel(rowp, colp, u2, z2)
    mu, ls = _mm2_kernel(acc2, u2, dinvb, Wmu, bmu.reshape(1, F),
                         Wls, bls.reshape(1, F))
    return mu[:NNODE], ls[:NNODE]

# --- scband reference (transcript-rebuilt; emitter-appended) ---
"""Pipeline reference for scband-variational-encoder-30520037605633 (READ-ONLY COPY).

The authoritative reference and input builder live on the scoring server;
editing this copy changes nothing except your own understanding.
"""

import jax, jax.numpy as jnp
import numpy as np

N = 10000
E = 320000
IN = 128
HID = 128
OUT = 128


def setup_inputs(seed: int = 0) -> dict:
    key = jax.random.key(seed)
    ks = jax.random.split(key, 8)
    x = jax.random.normal(ks[0], (N, IN), dtype=jnp.float32)
    edge_index = jax.random.randint(ks[1], (2, E), 0, N, dtype=jnp.int32)
    # SGConv linear layers: weight [out, in], bias [out] (PyG Linear default)
    W1 = jax.random.normal(ks[2], (HID, IN), dtype=jnp.float32) / np.sqrt(IN)
    b1 = jnp.zeros((HID,), dtype=jnp.float32)
    Wmu = jax.random.normal(ks[3], (OUT, HID), dtype=jnp.float32) / np.sqrt(HID)
    bmu = jnp.zeros((OUT,), dtype=jnp.float32)
    Wls = jax.random.normal(ks[4], (OUT, HID), dtype=jnp.float32) / np.sqrt(HID)
    bls = jnp.zeros((OUT,), dtype=jnp.float32)
    return {"x": x, "edge_index": edge_index, "W1": W1, "b1": b1,
            "Wmu": Wmu, "bmu": bmu, "Wls": Wls, "bls": bls}


def _sgconv(x, edge_index, W, b):
    # SGConv with K=1, add_self_loops=True, symmetric gcn normalization,
    # followed by a linear layer (propagate-then-transform).
    n = x.shape[0]
    loop = jnp.arange(n, dtype=edge_index.dtype)
    row = jnp.concatenate([edge_index[0], loop])  # source
    col = jnp.concatenate([edge_index[1], loop])  # target
    deg = jax.ops.segment_sum(jnp.ones_like(row, dtype=x.dtype), col, num_segments=n)
    dinv = jnp.where(deg > 0, deg ** -0.5, 0.0)
    norm = dinv[row] * dinv[col]
    msg = x[row] * norm[:, None]
    agg = jax.ops.segment_sum(msg, col, num_segments=n)
    return agg @ W.T + b


def reference(x, edge_index, W1, b1, Wmu, bmu, Wls, bls):
    h = jax.nn.relu(_sgconv(x, edge_index, W1, b1))
    mu = _sgconv(h, edge_index, Wmu, bmu)
    logstd = _sgconv(h, edge_index, Wls, bls)
    return (mu, logstd)

if __name__ == "__main__":
    import jax
    _d = setup_inputs()
    print(jax.jit(kernel)(*tuple(_d.values())))

</pallas_src>

<mosaic_0001>
#map = affine_map<(d0, d1) -> (0)>
#map1 = affine_map<(d0, d1) -> (0, 0)>
#map2 = affine_map<(d0, d1) -> (0, 0, 0)>
module attributes {stable_mosaic.version = 14 : i64} {
  func.func @_prop_body(%arg0: i32, %arg1: i32, %arg2: memref<323584xi32, #tpu.memory_space<hbm>>, %arg3: memref<323584xi32, #tpu.memory_space<hbm>>, %arg4: memref<10240x128xf32, #tpu.memory_space<hbm>>, %arg5: memref<10240x128xf32, #tpu.memory_space<hbm>>, %arg6: memref<2x10240x128xf32, #tpu.memory_space<hbm>>, %arg7: memref<128xi32, #tpu.memory_space<vmem>>, %arg8: memref<128xi32, #tpu.memory_space<vmem>>, %arg9: memref<128x128xf32, #tpu.memory_space<vmem>>, %arg10: memref<10240x128xf32, #tpu.memory_space<vmem_shared>>, %arg11: memref<!tpu.dma_semaphore, #tpu.memory_space<semaphore_mem>>) attributes {dimension_semantics = [#tpu.dimension_semantics<core_parallel>, #tpu.dimension_semantics<subcore_parallel>], iteration_bounds = array<i64: 2, 16>, scalar_prefetch = 0 : i64, scratch_operands = 5 : i64, tpu.core_type = #tpu.core_type<sc_vector_subcore>, window_params = [{transform_indices = #map}, {transform_indices = #map}, {transform_indices = #map1}, {transform_indices = #map1}, {transform_indices = #map2}]} {
    %mul3A = arith.constant 16 : i32
    %mul3A_0 = arith.muli %arg0, %mul3A : i32
    %add3A = arith.addi %mul3A_0, %arg1 : i32
    %mul3A_1 = arith.constant 640 : i32
    %mul3A_2 = arith.muli %arg1, %mul3A_1 : i32
    %mul3A_3 = arith.constant 640 : i32
    %mul3A_4 = arith.muli %arg1, %mul3A_3 : i32
    "tpu.region"() ({
      %run_scoped3A = tpu.sem_alloc : memref<!tpu.dma_semaphore, #tpu.memory_space<semaphore_mem>>
      %dma_start3A = arith.constant 0 : i32
      %dma_start3A_17 = tpu.memref_slice %arg10[%mul3A_4, %dma_start3A] : memref<10240x128xf32, #tpu.memory_space<vmem_shared>> -> memref<640x128xf32, #tpu.memory_space<vmem_shared>>
      %dma_start3A_18 = arith.constant 0 : i32
      %dma_start3A_19 = tpu.memref_slice %arg5[%mul3A_2, %dma_start3A_18] : memref<10240x128xf32, #tpu.memory_space<hbm>> -> memref<640x128xf32, #tpu.memory_space<hbm>>
      tpu.enqueue_dma source(%dma_start3A_19 : memref<640x128xf32, #tpu.memory_space<hbm>>) target(%dma_start3A_17 : memref<640x128xf32, #tpu.memory_space<vmem_shared>>) target_semaphore(%run_scoped3A : memref<!tpu.dma_semaphore, #tpu.memory_space<semaphore_mem>>)
      %dma_wait3A = arith.constant 0 : i32
      %dma_wait3A_20 = tpu.memref_slice %arg10[%mul3A_4, %dma_wait3A] : memref<10240x128xf32, #tpu.memory_space<vmem_shared>> -> memref<640x128xf32, #tpu.memory_space<vmem_shared>>
      %dma_wait3A_21 = arith.constant 0 : i32
      %dma_wait3A_22 = tpu.memref_slice %arg5[%mul3A_2, %dma_wait3A_21] : memref<10240x128xf32, #tpu.memory_space<hbm>> -> memref<640x128xf32, #tpu.memory_space<hbm>>
      tpu.wait_dma2 semaphore(%run_scoped3A : memref<!tpu.dma_semaphore, #tpu.memory_space<semaphore_mem>>) src(%dma_wait3A_22 : memref<640x128xf32, #tpu.memory_space<hbm>>) dst(%dma_wait3A_20 : memref<640x128xf32, #tpu.memory_space<vmem_shared>>)
      tpu.yield
    }) : () -> ()
    %barrier3A = arith.constant 0 : index
    tpu.barrier barrier_id(%barrier3A)
    %mul3A_5 = arith.constant 10112 : i32
    %mul3A_6 = arith.muli %add3A, %mul3A_5 : i32
    %scan3A = arith.constant 0 : i32
    %scan3A_7 = arith.constant 0 : i32
    %scan3A_8 = arith.constant 79 : i32
    %scan3A_9 = arith.addi %scan3A_7, %scan3A_8 : i32
    %scan3A_10 = arith.constant 1 : i32
    scf.for %scan3A_17 = %scan3A_7 to %scan3A_9 step %scan3A_10  : i32 {
      %mul3A_18 = arith.constant 128 : i32
      %mul3A_19 = arith.muli %scan3A_17, %mul3A_18 : i32
      %add3A_20 = arith.addi %mul3A_6, %mul3A_19 : i32
      %multiple_of3A = tpu.assume_multiple %add3A_20, 128 : i32
      "tpu.region"() ({
        %run_scoped3A = tpu.sem_alloc : memref<!tpu.dma_semaphore, #tpu.memory_space<semaphore_mem>>
        %dma_start3A_25 = tpu.memref_slice %arg2[%multiple_of3A] : memref<323584xi32, #tpu.memory_space<hbm>> -> memref<128xi32, #tpu.memory_space<hbm>>
        %dma_start3A_26 = tpu.memref_slice %arg2[%multiple_of3A] : memref<323584xi32, #tpu.memory_space<hbm>> -> memref<128xi32, #tpu.memory_space<hbm>>
        tpu.enqueue_dma source(%dma_start3A_26 : memref<128xi32, #tpu.memory_space<hbm>>) target(%arg7 : memref<128xi32, #tpu.memory_space<vmem>>) target_semaphore(%run_scoped3A : memref<!tpu.dma_semaphore, #tpu.memory_space<semaphore_mem>>)
        %dma_wait3A_27 = tpu.memref_slice %arg2[%multiple_of3A] : memref<323584xi32, #tpu.memory_space<hbm>> -> memref<128xi32, #tpu.memory_space<hbm>>
        %dma_wait3A_28 = tpu.memref_slice %arg2[%multiple_of3A] : memref<323584xi32, #tpu.memory_space<hbm>> -> memref<128xi32, #tpu.memory_space<hbm>>
        tpu.wait_dma2 semaphore(%run_scoped3A : memref<!tpu.dma_semaphore, #tpu.memory_space<semaphore_mem>>) src(%dma_wait3A_28 : memref<128xi32, #tpu.memory_space<hbm>>) dst(%arg7 : memref<128xi32, #tpu.memory_space<vmem>>)
        tpu.yield
      }) : () -> ()
      "tpu.region"() ({
        %run_scoped3A = tpu.sem_alloc : memref<!tpu.dma_semaphore, #tpu.memory_space<semaphore_mem>>
        %dma_start3A_25 = tpu.memref_slice %arg3[%multiple_of3A] : memref<323584xi32, #tpu.memory_space<hbm>> -> memref<128xi32, #tpu.memory_space<hbm>>
        %dma_start3A_26 = tpu.memref_slice %arg3[%multiple_of3A] : memref<323584xi32, #tpu.memory_space<hbm>> -> memref<128xi32, #tpu.memory_space<hbm>>
        tpu.enqueue_dma source(%dma_start3A_26 : memref<128xi32, #tpu.memory_space<hbm>>) target(%arg8 : memref<128xi32, #tpu.memory_space<vmem>>) target_semaphore(%run_scoped3A : memref<!tpu.dma_semaphore, #tpu.memory_space<semaphore_mem>>)
        %dma_wait3A_27 = tpu.memref_slice %arg3[%multiple_of3A] : memref<323584xi32, #tpu.memory_space<hbm>> -> memref<128xi32, #tpu.memory_space<hbm>>
        %dma_wait3A_28 = tpu.memref_slice %arg3[%multiple_of3A] : memref<323584xi32, #tpu.memory_space<hbm>> -> memref<128xi32, #tpu.memory_space<hbm>>
        tpu.wait_dma2 semaphore(%run_scoped3A : memref<!tpu.dma_semaphore, #tpu.memory_space<semaphore_mem>>) src(%dma_wait3A_28 : memref<128xi32, #tpu.memory_space<hbm>>) dst(%arg8 : memref<128xi32, #tpu.memory_space<vmem>>)
        tpu.yield
      }) : () -> ()
      %dma_start3A = arith.constant 0 : i32
      %dma_start3A_21 = arith.constant 0 : i32
      %dma_start3A_22 = tpu.memref_slice %arg4[%dma_start3A, %dma_start3A_21] : memref<10240x128xf32, #tpu.memory_space<hbm>> -> memref<10240x128xf32, #tpu.memory_space<hbm>>
      tpu.enqueue_indirect_dma source(%dma_start3A_22 : memref<10240x128xf32, #tpu.memory_space<hbm>>) target(%arg9 : memref<128x128xf32, #tpu.memory_space<vmem>>) offsets(%arg7 : memref<128xi32, #tpu.memory_space<vmem>>) semaphore(%arg11 : memref<!tpu.dma_semaphore, #tpu.memory_space<semaphore_mem>>)
      %dma_wait3A = arith.constant 0 : i32
      %dma_wait3A_23 = arith.constant 0 : i32
      %dma_wait3A_24 = tpu.memref_slice %arg4[%dma_wait3A, %dma_wait3A_23] : memref<10240x128xf32, #tpu.memory_space<hbm>> -> memref<10240x128xf32, #tpu.memory_space<hbm>>
      tpu.wait_indirect_dma semaphore(%arg11 : memref<!tpu.dma_semaphore, #tpu.memory_space<semaphore_mem>>) src(%dma_wait3A_24 : memref<10240x128xf32, #tpu.memory_space<hbm>>) dst(%arg9 : memref<128x128xf32, #tpu.memory_space<vmem>>)
      "tpu.region"() ({
        %run_scoped3A = tpu.sem_alloc : memref<!tpu.dma_semaphore, #tpu.memory_space<semaphore_mem>>
        %dma_start3A_25 = arith.constant 0 : i32
        %dma_start3A_26 = arith.constant 0 : i32
        %dma_start3A_27 = tpu.memref_slice %arg10[%dma_start3A_25, %dma_start3A_26] : memref<10240x128xf32, #tpu.memory_space<vmem_shared>> -> memref<10240x128xf32, #tpu.memory_space<vmem_shared>>
        tpu.enqueue_indirect_dma source(%arg9 : memref<128x128xf32, #tpu.memory_space<vmem>>) target(%dma_start3A_27 : memref<10240x128xf32, #tpu.memory_space<vmem_shared>>) offsets(%arg8 : memref<128xi32, #tpu.memory_space<vmem>>) semaphore(%run_scoped3A : memref<!tpu.dma_semaphore, #tpu.memory_space<semaphore_mem>>) {add = true}
        %dma_wait3A_28 = arith.constant 0 : i32
        %dma_wait3A_29 = arith.constant 0 : i32
        %dma_wait3A_30 = tpu.memref_slice %arg10[%dma_wait3A_28, %dma_wait3A_29] : memref<10240x128xf32, #tpu.memory_space<vmem_shared>> -> memref<10240x128xf32, #tpu.memory_space<vmem_shared>>
        tpu.wait_indirect_dma semaphore(%run_scoped3A : memref<!tpu.dma_semaphore, #tpu.memory_space<semaphore_mem>>) src(%arg9 : memref<128x128xf32, #tpu.memory_space<vmem>>) dst(%dma_wait3A_30 : memref<10240x128xf32, #tpu.memory_space<vmem_shared>>)
        tpu.yield
      }) : () -> ()
    }
    %scan3A_11 = arith.constant 79 : i32
    %barrier3A_12 = arith.constant 0 : index
    tpu.barrier barrier_id(%barrier3A_12)
    %mul3A_13 = arith.constant 640 : i32
    %mul3A_14 = arith.muli %arg1, %mul3A_13 : i32
    %mul3A_15 = arith.constant 640 : i32
    %mul3A_16 = arith.muli %arg1, %mul3A_15 : i32
    "tpu.region"() ({
      %run_scoped3A = tpu.sem_alloc : memref<!tpu.dma_semaphore, #tpu.memory_space<semaphore_mem>>
      %dma_start3A = arith.constant 0 : i32
      %dma_start3A_17 = tpu.memref_slice %arg6[%arg0, %mul3A_16, %dma_start3A] : memref<2x10240x128xf32, #tpu.memory_space<hbm>> -> memref<1x640x128xf32, #tpu.memory_space<hbm>>
      %dma_start3A_18 = tpu.memref_squeeze %dma_start3A_17 : memref<1x640x128xf32, #tpu.memory_space<hbm>> -> memref<640x128xf32, #tpu.memory_space<hbm>>
      %dma_start3A_19 = arith.constant 0 : i32
      %dma_start3A_20 = tpu.memref_slice %arg10[%mul3A_14, %dma_start3A_19] : memref<10240x128xf32, #tpu.memory_space<vmem_shared>> -> memref<640x128xf32, #tpu.memory_space<vmem_shared>>
      tpu.enqueue_dma source(%dma_start3A_20 : memref<640x128xf32, #tpu.memory_space<vmem_shared>>) target(%dma_start3A_18 : memref<640x128xf32, #tpu.memory_space<hbm>>) target_semaphore(%run_scoped3A : memref<!tpu.dma_semaphore, #tpu.memory_space<semaphore_mem>>)
      %dma_wait3A = arith.constant 0 : i32
      %dma_wait3A_21 = tpu.memref_slice %arg6[%arg0, %mul3A_16, %dma_wait3A] : memref<2x10240x128xf32, #tpu.memory_space<hbm>> -> memref<1x640x128xf32, #tpu.memory_space<hbm>>
      %dma_wait3A_22 = tpu.memref_squeeze %dma_wait3A_21 : memref<1x640x128xf32, #tpu.memory_space<hbm>> -> memref<640x128xf32, #tpu.memory_space<hbm>>
      %dma_wait3A_23 = arith.constant 0 : i32
      %dma_wait3A_24 = tpu.memref_slice %arg10[%mul3A_14, %dma_wait3A_23] : memref<10240x128xf32, #tpu.memory_space<vmem_shared>> -> memref<640x128xf32, #tpu.memory_space<vmem_shared>>
      tpu.wait_dma2 semaphore(%run_scoped3A : memref<!tpu.dma_semaphore, #tpu.memory_space<semaphore_mem>>) src(%dma_wait3A_24 : memref<640x128xf32, #tpu.memory_space<vmem_shared>>) dst(%dma_wait3A_22 : memref<640x128xf32, #tpu.memory_space<hbm>>)
      tpu.yield
    }) : () -> ()
    return
  }
}

#map = affine_map<(d0, d1) -> (0)>
#map1 = affine_map<(d0, d1) -> (0, 0)>
module attributes {stable_mosaic.version = 14 : i64} {
  func.func @_deg_body(%arg0: i32, %arg1: i32, %arg2: memref<323584xi32, #tpu.memory_space<hbm>>, %arg3: memref<10240xf32, #tpu.memory_space<hbm>>, %arg4: memref<2x10240xf32, #tpu.memory_space<hbm>>, %arg5: memref<128xi32, #tpu.memory_space<vmem>>, %arg6: memref<128xf32, #tpu.memory_space<vmem>>, %arg7: memref<10240xf32, #tpu.memory_space<vmem_shared>>) attributes {dimension_semantics = [#tpu.dimension_semantics<core_parallel>, #tpu.dimension_semantics<subcore_parallel>], iteration_bounds = array<i64: 2, 16>, scalar_prefetch = 0 : i64, scratch_operands = 3 : i64, tpu.core_type = #tpu.core_type<sc_vector_subcore>, window_params = [{transform_indices = #map}, {transform_indices = #map}, {transform_indices = #map1}]} {
    %mul3A = arith.constant 16 : i32
    %mul3A_0 = arith.muli %arg0, %mul3A : i32
    %add3A = arith.addi %mul3A_0, %arg1 : i32
    %mul3A_1 = arith.constant 640 : i32
    %mul3A_2 = arith.muli %arg1, %mul3A_1 : i32
    %mul3A_3 = arith.constant 640 : i32
    %mul3A_4 = arith.muli %arg1, %mul3A_3 : i32
    "tpu.region"() ({
      %run_scoped3A = tpu.sem_alloc : memref<!tpu.dma_semaphore, #tpu.memory_space<semaphore_mem>>
      %dma_start3A = tpu.memref_slice %arg7[%mul3A_4] : memref<10240xf32, #tpu.memory_space<vmem_shared>> -> memref<640xf32, #tpu.memory_space<vmem_shared>>
      %dma_start3A_63 = tpu.memref_slice %arg3[%mul3A_2] : memref<10240xf32, #tpu.memory_space<hbm>> -> memref<640xf32, #tpu.memory_space<hbm>>
      tpu.enqueue_dma source(%dma_start3A_63 : memref<640xf32, #tpu.memory_space<hbm>>) target(%dma_start3A : memref<640xf32, #tpu.memory_space<vmem_shared>>) target_semaphore(%run_scoped3A : memref<!tpu.dma_semaphore, #tpu.memory_space<semaphore_mem>>)
      %dma_wait3A = tpu.memref_slice %arg7[%mul3A_4] : memref<10240xf32, #tpu.memory_space<vmem_shared>> -> memref<640xf32, #tpu.memory_space<vmem_shared>>
      %dma_wait3A_64 = tpu.memref_slice %arg3[%mul3A_2] : memref<10240xf32, #tpu.memory_space<hbm>> -> memref<640xf32, #tpu.memory_space<hbm>>
      tpu.wait_dma2 semaphore(%run_scoped3A : memref<!tpu.dma_semaphore, #tpu.memory_space<semaphore_mem>>) src(%dma_wait3A_64 : memref<640xf32, #tpu.memory_space<hbm>>) dst(%dma_wait3A : memref<640xf32, #tpu.memory_space<vmem_shared>>)
      tpu.yield
    }) : () -> ()
    %broadcast_in_dim3A = arith.constant 1.000000e+00 : f32
    %broadcast_in_dim3A_5 = vector.broadcast %broadcast_in_dim3A : f32 to vector<16xf32>
    %swap3A = arith.constant 0 : index
    %swap3A_6 = tpu.vector_load %arg6[%swap3A] {strides = array<i32>} : memref<128xf32, #tpu.memory_space<vmem>>, vector<16xf32>,
    %swap3A_7 = vector.shape_cast %swap3A_6 : vector<16xf32> to vector<16xf32>
    %swap3A_8 = vector.shape_cast %broadcast_in_dim3A_5 : vector<16xf32> to vector<16xf32>
    tpu.vector_store %arg6[%swap3A], %swap3A_8 {strides = array<i32>} : memref<128xf32, #tpu.memory_space<vmem>>, vector<16xf32>,
    %broadcast_in_dim3A_9 = arith.constant 1.000000e+00 : f32
    %broadcast_in_dim3A_10 = vector.broadcast %broadcast_in_dim3A_9 : f32 to vector<16xf32>
    %swap3A_11 = arith.constant 16 : index
    %swap3A_12 = tpu.vector_load %arg6[%swap3A_11] {strides = array<i32>} : memref<128xf32, #tpu.memory_space<vmem>>, vector<16xf32>,
    %swap3A_13 = vector.shape_cast %swap3A_12 : vector<16xf32> to vector<16xf32>
    %swap3A_14 = vector.shape_cast %broadcast_in_dim3A_10 : vector<16xf32> to vector<16xf32>
    tpu.vector_store %arg6[%swap3A_11], %swap3A_14 {strides = array<i32>} : memref<128xf32, #tpu.memory_space<vmem>>, vector<16xf32>,
    %broadcast_in_dim3A_15 = arith.constant 1.000000e+00 : f32
    %broadcast_in_dim3A_16 = vector.broadcast %broadcast_in_dim3A_15 : f32 to vector<16xf32>
    %swap3A_17 = arith.constant 32 : index
    %swap3A_18 = tpu.vector_load %arg6[%swap3A_17] {strides = array<i32>} : memref<128xf32, #tpu.memory_space<vmem>>, vector<16xf32>,
    %swap3A_19 = vector.shape_cast %swap3A_18 : vector<16xf32> to vector<16xf32>
    %swap3A_20 = vector.shape_cast %broadcast_in_dim3A_16 : vector<16xf32> to vector<16xf32>
    tpu.vector_store %arg6[%swap3A_17], %swap3A_20 {strides = array<i32>} : memref<128xf32, #tpu.memory_space<vmem>>, vector<16xf32>,
    %broadcast_in_dim3A_21 = arith.constant 1.000000e+00 : f32
    %broadcast_in_dim3A_22 = vector.broadcast %broadcast_in_dim3A_21 : f32 to vector<16xf32>
    %swap3A_23 = arith.constant 48 : index
    %swap3A_24 = tpu.vector_load %arg6[%swap3A_23] {strides = array<i32>} : memref<128xf32, #tpu.memory_space<vmem>>, vector<16xf32>,
    %swap3A_25 = vector.shape_cast %swap3A_24 : vector<16xf32> to vector<16xf32>
    %swap3A_26 = vector.shape_cast %broadcast_in_dim3A_22 : vector<16xf32> to vector<16xf32>
    tpu.vector_store %arg6[%swap3A_23], %swap3A_26 {strides = array<i32>} : memref<128xf32, #tpu.memory_space<vmem>>, vector<16xf32>,
    %broadcast_in_dim3A_27 = arith.constant 1.000000e+00 : f32
    %broadcast_in_dim3A_28 = vector.broadcast %broadcast_in_dim3A_27 : f32 to vector<16xf32>
    %swap3A_29 = arith.constant 64 : index
    %swap3A_30 = tpu.vector_load %arg6[%swap3A_29] {strides = array<i32>} : memref<128xf32, #tpu.memory_space<vmem>>, vector<16xf32>,
    %swap3A_31 = vector.shape_cast %swap3A_30 : vector<16xf32> to vector<16xf32>
    %swap3A_32 = vector.shape_cast %broadcast_in_dim3A_28 : vector<16xf32> to vector<16xf32>
    tpu.vector_store %arg6[%swap3A_29], %swap3A_32 {strides = array<i32>} : memref<128xf32, #tpu.memory_space<vmem>>, vector<16xf32>,
    %broadcast_in_dim3A_33 = arith.constant 1.000000e+00 : f32
    %broadcast_in_dim3A_34 = vector.broadcast %broadcast_in_dim3A_33 : f32 to vector<16xf32>
    %swap3A_35 = arith.constant 80 : index
    %swap3A_36 = tpu.vector_load %arg6[%swap3A_35] {strides = array<i32>} : memref<128xf32, #tpu.memory_space<vmem>>, vector<16xf32>,
    %swap3A_37 = vector.shape_cast %swap3A_36 : vector<16xf32> to vector<16xf32>
    %swap3A_38 = vector.shape_cast %broadcast_in_dim3A_34 : vector<16xf32> to vector<16xf32>
    tpu.vector_store %arg6[%swap3A_35], %swap3A_38 {strides = array<i32>} : memref<128xf32, #tpu.memory_space<vmem>>, vector<16xf32>,
    %broadcast_in_dim3A_39 = arith.constant 1.000000e+00 : f32
    %broadcast_in_dim3A_40 = vector.broadcast %broadcast_in_dim3A_39 : f32 to vector<16xf32>
    %swap3A_41 = arith.constant 96 : index
    %swap3A_42 = tpu.vector_load %arg6[%swap3A_41] {strides = array<i32>} : memref<128xf32, #tpu.memory_space<vmem>>, vector<16xf32>,
    %swap3A_43 = vector.shape_cast %swap3A_42 : vector<16xf32> to vector<16xf32>
    %swap3A_44 = vector.shape_cast %broadcast_in_dim3A_40 : vector<16xf32> to vector<16xf32>
    tpu.vector_store %arg6[%swap3A_41], %swap3A_44 {strides = array<i32>} : memref<128xf32, #tpu.memory_space<vmem>>, vector<16xf32>,
    %broadcast_in_dim3A_45 = arith.constant 1.000000e+00 : f32
    %broadcast_in_dim3A_46 = vector.broadcast %broadcast_in_dim3A_45 : f32 to vector<16xf32>
    %swap3A_47 = arith.constant 112 : index
    %swap3A_48 = tpu.vector_load %arg6[%swap3A_47] {strides = array<i32>} : memref<128xf32, #tpu.memory_space<vmem>>, vector<16xf32>,
    %swap3A_49 = vector.shape_cast %swap3A_48 : vector<16xf32> to vector<16xf32>
    %swap3A_50 = vector.shape_cast %broadcast_in_dim3A_46 : vector<16xf32> to vector<16xf32>
    tpu.vector_store %arg6[%swap3A_47], %swap3A_50 {strides = array<i32>} : memref<128xf32, #tpu.memory_space<vmem>>, vector<16xf32>,
    %barrier3A = arith.constant 0 : index
    tpu.barrier barrier_id(%barrier3A)
    %mul3A_51 = arith.constant 10112 : i32
    %mul3A_52 = arith.muli %add3A, %mul3A_51 : i32
    %scan3A = arith.constant 0 : i32
    %scan3A_53 = arith.constant 0 : i32
    %scan3A_54 = arith.constant 79 : i32
    %scan3A_55 = arith.addi %scan3A_53, %scan3A_54 : i32
    %scan3A_56 = arith.constant 1 : i32
    scf.for %scan3A_63 = %scan3A_53 to %scan3A_55 step %scan3A_56  : i32 {
      %mul3A_64 = arith.constant 128 : i32
      %mul3A_65 = arith.muli %scan3A_63, %mul3A_64 : i32
      %add3A_66 = arith.addi %mul3A_52, %mul3A_65 : i32
      %multiple_of3A = tpu.assume_multiple %add3A_66, 128 : i32
      "tpu.region"() ({
        %run_scoped3A = tpu.sem_alloc : memref<!tpu.dma_semaphore, #tpu.memory_space<semaphore_mem>>
        %dma_start3A = tpu.memref_slice %arg2[%multiple_of3A] : memref<323584xi32, #tpu.memory_space<hbm>> -> memref<128xi32, #tpu.memory_space<hbm>>
        %dma_start3A_67 = tpu.memref_slice %arg2[%multiple_of3A] : memref<323584xi32, #tpu.memory_space<hbm>> -> memref<128xi32, #tpu.memory_space<hbm>>
        tpu.enqueue_dma source(%dma_start3A_67 : memref<128xi32, #tpu.memory_space<hbm>>) target(%arg5 : memref<128xi32, #tpu.memory_space<vmem>>) target_semaphore(%run_scoped3A : memref<!tpu.dma_semaphore, #tpu.memory_space<semaphore_mem>>)
        %dma_wait3A = tpu.memref_slice %arg2[%multiple_of3A] : memref<323584xi32, #tpu.memory_space<hbm>> -> memref<128xi32, #tpu.memory_space<hbm>>
        %dma_wait3A_68 = tpu.memref_slice %arg2[%multiple_of3A] : memref<323584xi32, #tpu.memory_space<hbm>> -> memref<128xi32, #tpu.memory_space<hbm>>
        tpu.wait_dma2 semaphore(%run_scoped3A : memref<!tpu.dma_semaphore, #tpu.memory_space<semaphore_mem>>) src(%dma_wait3A_68 : memref<128xi32, #tpu.memory_space<hbm>>) dst(%arg5 : memref<128xi32, #tpu.memory_space<vmem>>)
        tpu.yield
      }) : () -> ()
      "tpu.region"() ({
        %run_scoped3A = tpu.sem_alloc : memref<!tpu.dma_semaphore, #tpu.memory_space<semaphore_mem>>
        %dma_start3A = arith.constant 0 : i32
        %dma_start3A_67 = tpu.memref_slice %arg7[%dma_start3A] : memref<10240xf32, #tpu.memory_space<vmem_shared>> -> memref<10240xf32, #tpu.memory_space<vmem_shared>>
        tpu.enqueue_indirect_dma source(%arg6 : memref<128xf32, #tpu.memory_space<vmem>>) target(%dma_start3A_67 : memref<10240xf32, #tpu.memory_space<vmem_shared>>) offsets(%arg5 : memref<128xi32, #tpu.memory_space<vmem>>) semaphore(%run_scoped3A : memref<!tpu.dma_semaphore, #tpu.memory_space<semaphore_mem>>) {add = true}
        %dma_wait3A = arith.constant 0 : i32
        %dma_wait3A_68 = tpu.memref_slice %arg7[%dma_wait3A] : memref<10240xf32, #tpu.memory_space<vmem_shared>> -> memref<10240xf32, #tpu.memory_space<vmem_shared>>
        tpu.wait_indirect_dma semaphore(%run_scoped3A : memref<!tpu.dma_semaphore, #tpu.memory_space<semaphore_mem>>) src(%arg6 : memref<128xf32, #tpu.memory_space<vmem>>) dst(%dma_wait3A_68 : memref<10240xf32, #tpu.memory_space<vmem_shared>>)
        tpu.yield
      }) : () -> ()
    }
    %scan3A_57 = arith.constant 79 : i32
    %barrier3A_58 = arith.constant 0 : index
    tpu.barrier barrier_id(%barrier3A_58)
    %mul3A_59 = arith.constant 640 : i32
    %mul3A_60 = arith.muli %arg1, %mul3A_59 : i32
    %mul3A_61 = arith.constant 640 : i32
    %mul3A_62 = arith.muli %arg1, %mul3A_61 : i32
    "tpu.region"() ({
      %run_scoped3A = tpu.sem_alloc : memref<!tpu.dma_semaphore, #tpu.memory_space<semaphore_mem>>
      %dma_start3A = tpu.memref_slice %arg4[%arg0, %mul3A_62] : memref<2x10240xf32, #tpu.memory_space<hbm>> -> memref<1x640xf32, #tpu.memory_space<hbm>>
      %dma_start3A_63 = tpu.memref_squeeze %dma_start3A : memref<1x640xf32, #tpu.memory_space<hbm>> -> memref<640xf32, #tpu.memory_space<hbm>>
      %dma_start3A_64 = tpu.memref_slice %arg7[%mul3A_60] : memref<10240xf32, #tpu.memory_space<vmem_shared>> -> memref<640xf32, #tpu.memory_space<vmem_shared>>
      tpu.enqueue_dma source(%dma_start3A_64 : memref<640xf32, #tpu.memory_space<vmem_shared>>) target(%dma_start3A_63 : memref<640xf32, #tpu.memory_space<hbm>>) target_semaphore(%run_scoped3A : memref<!tpu.dma_semaphore, #tpu.memory_space<semaphore_mem>>)
      %dma_wait3A = tpu.memref_slice %arg4[%arg0, %mul3A_62] : memref<2x10240xf32, #tpu.memory_space<hbm>> -> memref<1x640xf32, #tpu.memory_space<hbm>>
      %dma_wait3A_65 = tpu.memref_squeeze %dma_wait3A : memref<1x640xf32, #tpu.memory_space<hbm>> -> memref<640xf32, #tpu.memory_space<hbm>>
      %dma_wait3A_66 = tpu.memref_slice %arg7[%mul3A_60] : memref<10240xf32, #tpu.memory_space<vmem_shared>> -> memref<640xf32, #tpu.memory_space<vmem_shared>>
      tpu.wait_dma2 semaphore(%run_scoped3A : memref<!tpu.dma_semaphore, #tpu.memory_space<semaphore_mem>>) src(%dma_wait3A_66 : memref<640xf32, #tpu.memory_space<vmem_shared>>) dst(%dma_wait3A_65 : memref<640xf32, #tpu.memory_space<hbm>>)
      tpu.yield
    }) : () -> ()
    return
  }
}

#map = affine_map<(d0, d1) -> (0)>
#map1 = affine_map<(d0, d1) -> (0, 0)>
#map2 = affine_map<(d0, d1) -> (0, 0, 0)>
module attributes {stable_mosaic.version = 14 : i64} {
  func.func @_prop_body(%arg0: i32, %arg1: i32, %arg2: memref<323584xi32, #tpu.memory_space<hbm>>, %arg3: memref<323584xi32, #tpu.memory_space<hbm>>, %arg4: memref<10240x128xf32, #tpu.memory_space<hbm>>, %arg5: memref<10240x128xf32, #tpu.memory_space<hbm>>, %arg6: memref<2x10240x128xf32, #tpu.memory_space<hbm>>, %arg7: memref<128xi32, #tpu.memory_space<vmem>>, %arg8: memref<128xi32, #tpu.memory_space<vmem>>, %arg9: memref<128x128xf32, #tpu.memory_space<vmem>>, %arg10: memref<10240x128xf32, #tpu.memory_space<vmem_shared>>, %arg11: memref<!tpu.dma_semaphore, #tpu.memory_space<semaphore_mem>>) attributes {dimension_semantics = [#tpu.dimension_semantics<core_parallel>, #tpu.dimension_semantics<subcore_parallel>], iteration_bounds = array<i64: 2, 16>, scalar_prefetch = 0 : i64, scratch_operands = 5 : i64, tpu.core_type = #tpu.core_type<sc_vector_subcore>, window_params = [{transform_indices = #map}, {transform_indices = #map}, {transform_indices = #map1}, {transform_indices = #map1}, {transform_indices = #map2}]} {
    %mul3A = arith.constant 16 : i32
    %mul3A_0 = arith.muli %arg0, %mul3A : i32
    %add3A = arith.addi %mul3A_0, %arg1 : i32
    %mul3A_1 = arith.constant 640 : i32
    %mul3A_2 = arith.muli %arg1, %mul3A_1 : i32
    %mul3A_3 = arith.constant 640 : i32
    %mul3A_4 = arith.muli %arg1, %mul3A_3 : i32
    "tpu.region"() ({
      %run_scoped3A = tpu.sem_alloc : memref<!tpu.dma_semaphore, #tpu.memory_space<semaphore_mem>>
      %dma_start3A = arith.constant 0 : i32
      %dma_start3A_17 = tpu.memref_slice %arg10[%mul3A_4, %dma_start3A] : memref<10240x128xf32, #tpu.memory_space<vmem_shared>> -> memref<640x128xf32, #tpu.memory_space<vmem_shared>>
      %dma_start3A_18 = arith.constant 0 : i32
      %dma_start3A_19 = tpu.memref_slice %arg5[%mul3A_2, %dma_start3A_18] : memref<10240x128xf32, #tpu.memory_space<hbm>> -> memref<640x128xf32, #tpu.memory_space<hbm>>
      tpu.enqueue_dma source(%dma_start3A_19 : memref<640x128xf32, #tpu.memory_space<hbm>>) target(%dma_start3A_17 : memref<640x128xf32, #tpu.memory_space<vmem_shared>>) target_semaphore(%run_scoped3A : memref<!tpu.dma_semaphore, #tpu.memory_space<semaphore_mem>>)
      %dma_wait3A = arith.constant 0 : i32
      %dma_wait3A_20 = tpu.memref_slice %arg10[%mul3A_4, %dma_wait3A] : memref<10240x128xf32, #tpu.memory_space<vmem_shared>> -> memref<640x128xf32, #tpu.memory_space<vmem_shared>>
      %dma_wait3A_21 = arith.constant 0 : i32
      %dma_wait3A_22 = tpu.memref_slice %arg5[%mul3A_2, %dma_wait3A_21] : memref<10240x128xf32, #tpu.memory_space<hbm>> -> memref<640x128xf32, #tpu.memory_space<hbm>>
      tpu.wait_dma2 semaphore(%run_scoped3A : memref<!tpu.dma_semaphore, #tpu.memory_space<semaphore_mem>>) src(%dma_wait3A_22 : memref<640x128xf32, #tpu.memory_space<hbm>>) dst(%dma_wait3A_20 : memref<640x128xf32, #tpu.memory_space<vmem_shared>>)
      tpu.yield
    }) : () -> ()
    %barrier3A = arith.constant 0 : index
    tpu.barrier barrier_id(%barrier3A)
    %mul3A_5 = arith.constant 10112 : i32
    %mul3A_6 = arith.muli %add3A, %mul3A_5 : i32
    %scan3A = arith.constant 0 : i32
    %scan3A_7 = arith.constant 0 : i32
    %scan3A_8 = arith.constant 79 : i32
    %scan3A_9 = arith.addi %scan3A_7, %scan3A_8 : i32
    %scan3A_10 = arith.constant 1 : i32
    scf.for %scan3A_17 = %scan3A_7 to %scan3A_9 step %scan3A_10  : i32 {
      %mul3A_18 = arith.constant 128 : i32
      %mul3A_19 = arith.muli %scan3A_17, %mul3A_18 : i32
      %add3A_20 = arith.addi %mul3A_6, %mul3A_19 : i32
      %multiple_of3A = tpu.assume_multiple %add3A_20, 128 : i32
      "tpu.region"() ({
        %run_scoped3A = tpu.sem_alloc : memref<!tpu.dma_semaphore, #tpu.memory_space<semaphore_mem>>
        %dma_start3A_25 = tpu.memref_slice %arg2[%multiple_of3A] : memref<323584xi32, #tpu.memory_space<hbm>> -> memref<128xi32, #tpu.memory_space<hbm>>
        %dma_start3A_26 = tpu.memref_slice %arg2[%multiple_of3A] : memref<323584xi32, #tpu.memory_space<hbm>> -> memref<128xi32, #tpu.memory_space<hbm>>
        tpu.enqueue_dma source(%dma_start3A_26 : memref<128xi32, #tpu.memory_space<hbm>>) target(%arg7 : memref<128xi32, #tpu.memory_space<vmem>>) target_semaphore(%run_scoped3A : memref<!tpu.dma_semaphore, #tpu.memory_space<semaphore_mem>>)
        %dma_wait3A_27 = tpu.memref_slice %arg2[%multiple_of3A] : memref<323584xi32, #tpu.memory_space<hbm>> -> memref<128xi32, #tpu.memory_space<hbm>>
        %dma_wait3A_28 = tpu.memref_slice %arg2[%multiple_of3A] : memref<323584xi32, #tpu.memory_space<hbm>> -> memref<128xi32, #tpu.memory_space<hbm>>
        tpu.wait_dma2 semaphore(%run_scoped3A : memref<!tpu.dma_semaphore, #tpu.memory_space<semaphore_mem>>) src(%dma_wait3A_28 : memref<128xi32, #tpu.memory_space<hbm>>) dst(%arg7 : memref<128xi32, #tpu.memory_space<vmem>>)
        tpu.yield
      }) : () -> ()
      "tpu.region"() ({
        %run_scoped3A = tpu.sem_alloc : memref<!tpu.dma_semaphore, #tpu.memory_space<semaphore_mem>>
        %dma_start3A_25 = tpu.memref_slice %arg3[%multiple_of3A] : memref<323584xi32, #tpu.memory_space<hbm>> -> memref<128xi32, #tpu.memory_space<hbm>>
        %dma_start3A_26 = tpu.memref_slice %arg3[%multiple_of3A] : memref<323584xi32, #tpu.memory_space<hbm>> -> memref<128xi32, #tpu.memory_space<hbm>>
        tpu.enqueue_dma source(%dma_start3A_26 : memref<128xi32, #tpu.memory_space<hbm>>) target(%arg8 : memref<128xi32, #tpu.memory_space<vmem>>) target_semaphore(%run_scoped3A : memref<!tpu.dma_semaphore, #tpu.memory_space<semaphore_mem>>)
        %dma_wait3A_27 = tpu.memref_slice %arg3[%multiple_of3A] : memref<323584xi32, #tpu.memory_space<hbm>> -> memref<128xi32, #tpu.memory_space<hbm>>
        %dma_wait3A_28 = tpu.memref_slice %arg3[%multiple_of3A] : memref<323584xi32, #tpu.memory_space<hbm>> -> memref<128xi32, #tpu.memory_space<hbm>>
        tpu.wait_dma2 semaphore(%run_scoped3A : memref<!tpu.dma_semaphore, #tpu.memory_space<semaphore_mem>>) src(%dma_wait3A_28 : memref<128xi32, #tpu.memory_space<hbm>>) dst(%arg8 : memref<128xi32, #tpu.memory_space<vmem>>)
        tpu.yield
      }) : () -> ()
      %dma_start3A = arith.constant 0 : i32
      %dma_start3A_21 = arith.constant 0 : i32
      %dma_start3A_22 = tpu.memref_slice %arg4[%dma_start3A, %dma_start3A_21] : memref<10240x128xf32, #tpu.memory_space<hbm>> -> memref<10240x128xf32, #tpu.memory_space<hbm>>
      tpu.enqueue_indirect_dma source(%dma_start3A_22 : memref<10240x128xf32, #tpu.memory_space<hbm>>) target(%arg9 : memref<128x128xf32, #tpu.memory_space<vmem>>) offsets(%arg7 : memref<128xi32, #tpu.memory_space<vmem>>) semaphore(%arg11 : memref<!tpu.dma_semaphore, #tpu.memory_space<semaphore_mem>>)
      %dma_wait3A = arith.constant 0 : i32
      %dma_wait3A_23 = arith.constant 0 : i32
      %dma_wait3A_24 = tpu.memref_slice %arg4[%dma_wait3A, %dma_wait3A_23] : memref<10240x128xf32, #tpu.memory_space<hbm>> -> memref<10240x128xf32, #tpu.memory_space<hbm>>
      tpu.wait_indirect_dma semaphore(%arg11 : memref<!tpu.dma_semaphore, #tpu.memory_space<semaphore_mem>>) src(%dma_wait3A_24 : memref<10240x128xf32, #tpu.memory_space<hbm>>) dst(%arg9 : memref<128x128xf32, #tpu.memory_space<vmem>>)
      "tpu.region"() ({
        %run_scoped3A = tpu.sem_alloc : memref<!tpu.dma_semaphore, #tpu.memory_space<semaphore_mem>>
        %dma_start3A_25 = arith.constant 0 : i32
        %dma_start3A_26 = arith.constant 0 : i32
        %dma_start3A_27 = tpu.memref_slice %arg10[%dma_start3A_25, %dma_start3A_26] : memref<10240x128xf32, #tpu.memory_space<vmem_shared>> -> memref<10240x128xf32, #tpu.memory_space<vmem_shared>>
        tpu.enqueue_indirect_dma source(%arg9 : memref<128x128xf32, #tpu.memory_space<vmem>>) target(%dma_start3A_27 : memref<10240x128xf32, #tpu.memory_space<vmem_shared>>) offsets(%arg8 : memref<128xi32, #tpu.memory_space<vmem>>) semaphore(%run_scoped3A : memref<!tpu.dma_semaphore, #tpu.memory_space<semaphore_mem>>) {add = true}
        %dma_wait3A_28 = arith.constant 0 : i32
        %dma_wait3A_29 = arith.constant 0 : i32
        %dma_wait3A_30 = tpu.memref_slice %arg10[%dma_wait3A_28, %dma_wait3A_29] : memref<10240x128xf32, #tpu.memory_space<vmem_shared>> -> memref<10240x128xf32, #tpu.memory_space<vmem_shared>>
        tpu.wait_indirect_dma semaphore(%run_scoped3A : memref<!tpu.dma_semaphore, #tpu.memory_space<semaphore_mem>>) src(%arg9 : memref<128x128xf32, #tpu.memory_space<vmem>>) dst(%dma_wait3A_30 : memref<10240x128xf32, #tpu.memory_space<vmem_shared>>)
        tpu.yield
      }) : () -> ()
    }
    %scan3A_11 = arith.constant 79 : i32
    %barrier3A_12 = arith.constant 0 : index
    tpu.barrier barrier_id(%barrier3A_12)
    %mul3A_13 = arith.constant 640 : i32
    %mul3A_14 = arith.muli %arg1, %mul3A_13 : i32
    %mul3A_15 = arith.constant 640 : i32
    %mul3A_16 = arith.muli %arg1, %mul3A_15 : i32
    "tpu.region"() ({
      %run_scoped3A = tpu.sem_alloc : memref<!tpu.dma_semaphore, #tpu.memory_space<semaphore_mem>>
      %dma_start3A = arith.constant 0 : i32
      %dma_start3A_17 = tpu.memref_slice %arg6[%arg0, %mul3A_16, %dma_start3A] : memref<2x10240x128xf32, #tpu.memory_space<hbm>> -> memref<1x640x128xf32, #tpu.memory_space<hbm>>
      %dma_start3A_18 = tpu.memref_squeeze %dma_start3A_17 : memref<1x640x128xf32, #tpu.memory_space<hbm>> -> memref<640x128xf32, #tpu.memory_space<hbm>>
      %dma_start3A_19 = arith.constant 0 : i32
      %dma_start3A_20 = tpu.memref_slice %arg10[%mul3A_14, %dma_start3A_19] : memref<10240x128xf32, #tpu.memory_space<vmem_shared>> -> memref<640x128xf32, #tpu.memory_space<vmem_shared>>
      tpu.enqueue_dma source(%dma_start3A_20 : memref<640x128xf32, #tpu.memory_space<vmem_shared>>) target(%dma_start3A_18 : memref<640x128xf32, #tpu.memory_space<hbm>>) target_semaphore(%run_scoped3A : memref<!tpu.dma_semaphore, #tpu.memory_space<semaphore_mem>>)
      %dma_wait3A = arith.constant 0 : i32
      %dma_wait3A_21 = tpu.memref_slice %arg6[%arg0, %mul3A_16, %dma_wait3A] : memref<2x10240x128xf32, #tpu.memory_space<hbm>> -> memref<1x640x128xf32, #tpu.memory_space<hbm>>
      %dma_wait3A_22 = tpu.memref_squeeze %dma_wait3A_21 : memref<1x640x128xf32, #tpu.memory_space<hbm>> -> memref<640x128xf32, #tpu.memory_space<hbm>>
      %dma_wait3A_23 = arith.constant 0 : i32
      %dma_wait3A_24 = tpu.memref_slice %arg10[%mul3A_14, %dma_wait3A_23] : memref<10240x128xf32, #tpu.memory_space<vmem_shared>> -> memref<640x128xf32, #tpu.memory_space<vmem_shared>>
      tpu.wait_dma2 semaphore(%run_scoped3A : memref<!tpu.dma_semaphore, #tpu.memory_space<semaphore_mem>>) src(%dma_wait3A_24 : memref<640x128xf32, #tpu.memory_space<vmem_shared>>) dst(%dma_wait3A_22 : memref<640x128xf32, #tpu.memory_space<hbm>>)
      tpu.yield
    }) : () -> ()
    return
  }
}

module attributes {stable_mosaic.version = 14 : i64} {
  func.func @_scale_body(%arg0: i32, %arg1: memref<2048x2xf32, #tpu.memory_space<vmem>>, %arg2: memref<2048x128xf32, #tpu.memory_space<vmem>>, %arg3: memref<2048x128xf32, #tpu.memory_space<vmem>>, %arg4: memref<2048x128xf32, #tpu.memory_space<vmem>>) attributes {dimension_semantics = [#tpu.dimension_semantics<arbitrary>], iteration_bounds = array<i64: 5>, scalar_prefetch = 0 : i64, scratch_operands = 0 : i64, tpu.core_type = #tpu.core_type<tc>, window_params = [{transform_indices = @transform_0, window_bounds = array<i64: 2048, 2>}, {transform_indices = @transform_1, window_bounds = array<i64: 2048, 128>}, {transform_indices = @transform_2, window_bounds = array<i64: 2048, 128>}, {transform_indices = @transform_3, window_bounds = array<i64: 2048, 128>}]} {
    %get3A = arith.constant 0 : index
    %get3A_0 = arith.constant 0 : index
    %get3A_1 = vector.load %arg1[%get3A, %get3A_0] : memref<2048x2xf32, #tpu.memory_space<vmem>>, vector<2048x1xf32>
    %get3A_2 = arith.constant 0 : index
    %get3A_3 = arith.constant 1 : index
    %get3A_4 = vector.load %arg1[%get3A_2, %get3A_3] : memref<2048x2xf32, #tpu.memory_space<vmem>>, vector<2048x1xf32>
    %add3A = arith.addf %get3A_1, %get3A_4 : vector<2048x1xf32>
    %add3A_5 = arith.constant 1.000000e+00 : f32
    %add3A_6 = vector.broadcast %add3A_5 : f32 to vector<2048x1xf32>
    %add3A_7 = arith.addf %add3A, %add3A_6 : vector<2048x1xf32>
    %rsqrt3A = math.rsqrt %add3A_7 : vector<2048x1xf32>
    %broadcast_in_dim3A = vector.shape_cast %rsqrt3A : vector<2048x1xf32> to vector<2048x1xf32>
    %broadcast_in_dim3A_8 = vector.broadcast %broadcast_in_dim3A : vector<2048x1xf32> to vector<2048x128xf32>
    %swap3A = arith.constant 0 : index
    %swap3A_9 = arith.constant 0 : index
    %swap3A_10 = vector.load %arg3[%swap3A, %swap3A_9] : memref<2048x128xf32, #tpu.memory_space<vmem>>, vector<2048x128xf32>
    tpu.vector_store %arg3[%swap3A, %swap3A_9], %broadcast_in_dim3A_8 {strides = array<i32>} : memref<2048x128xf32, #tpu.memory_space<vmem>>, vector<2048x128xf32>,
    %get3A_11 = arith.constant 0 : index
    %get3A_12 = arith.constant 0 : index
    %get3A_13 = vector.load %arg2[%get3A_11, %get3A_12] : memref<2048x128xf32, #tpu.memory_space<vmem>>, vector<2048x128xf32>
    %mul3A = arith.mulf %get3A_13, %broadcast_in_dim3A_8 : vector<2048x128xf32>
    %swap3A_14 = arith.constant 0 : index
    %swap3A_15 = arith.constant 0 : index
    %swap3A_16 = vector.load %arg4[%swap3A_14, %swap3A_15] : memref<2048x128xf32, #tpu.memory_space<vmem>>, vector<2048x128xf32>
    tpu.vector_store %arg4[%swap3A_14, %swap3A_15], %mul3A {strides = array<i32>} : memref<2048x128xf32, #tpu.memory_space<vmem>>, vector<2048x128xf32>,
    return
  }
  func.func @transform_0(%arg0: i32) -> (i32, i32) {
    %c0_i32 = arith.constant 0 : i32
    %c0_i32_0 = arith.constant 0 : i32
    return %arg0, %c0_i32 : i32, i32
  }
  func.func @transform_1(%arg0: i32) -> (i32, i32) {
    %c0_i32 = arith.constant 0 : i32
    %c0_i32_0 = arith.constant 0 : i32
    return %arg0, %c0_i32 : i32, i32
  }
  func.func @transform_2(%arg0: i32) -> (i32, i32) {
    %c0_i32 = arith.constant 0 : i32
    %c0_i32_0 = arith.constant 0 : i32
    return %arg0, %c0_i32 : i32, i32
  }
  func.func @transform_3(%arg0: i32) -> (i32, i32) {
    %c0_i32 = arith.constant 0 : i32
    %c0_i32_0 = arith.constant 0 : i32
    return %arg0, %c0_i32 : i32, i32
  }
}

module attributes {stable_mosaic.version = 14 : i64} {
  func.func @_mm1_body(%arg0: i32, %arg1: memref<2x2048x128xf32, #tpu.memory_space<vmem>>, %arg2: memref<2048x128xf32, #tpu.memory_space<vmem>>, %arg3: memref<2048x128xf32, #tpu.memory_space<vmem>>, %arg4: memref<128x128xf32, #tpu.memory_space<vmem>>, %arg5: memref<1x128xf32, #tpu.memory_space<vmem>>, %arg6: memref<2048x128xf32, #tpu.memory_space<vmem>>) attributes {dimension_semantics = [#tpu.dimension_semantics<arbitrary>], iteration_bounds = array<i64: 5>, scalar_prefetch = 0 : i64, scratch_operands = 0 : i64, tpu.core_type = #tpu.core_type<tc>, window_params = [{transform_indices = @transform_0, window_bounds = array<i64: 2, 2048, 128>}, {transform_indices = @transform_1, window_bounds = array<i64: 2048, 128>}, {transform_indices = @transform_2, window_bounds = array<i64: 2048, 128>}, {pipeline_mode = #tpu.pipeline_mode<synchronous>, transform_indices = @transform_3, window_bounds = array<i64: 128, 128>}, {pipeline_mode = #tpu.pipeline_mode<synchronous>, transform_indices = @transform_4, window_bounds = array<i64: 1, 128>}, {transform_indices = @transform_5, window_bounds = array<i64: 2048, 128>}]} {
    %get3A = arith.constant 0 : index
    %get3A_0 = arith.constant 0 : index
    %get3A_1 = arith.constant 0 : index
    %get3A_2 = vector.load %arg1[%get3A, %get3A_0, %get3A_1] : memref<2x2048x128xf32, #tpu.memory_space<vmem>>, vector<1x2048x128xf32>
    %get3A_3 = vector.shape_cast %get3A_2 : vector<1x2048x128xf32> to vector<2048x128xf32>
    %get3A_4 = arith.constant 1 : index
    %get3A_5 = arith.constant 0 : index
    %get3A_6 = arith.constant 0 : index
    %get3A_7 = vector.load %arg1[%get3A_4, %get3A_5, %get3A_6] : memref<2x2048x128xf32, #tpu.memory_space<vmem>>, vector<1x2048x128xf32>
    %get3A_8 = vector.shape_cast %get3A_7 : vector<1x2048x128xf32> to vector<2048x128xf32>
    %add3A = arith.addf %get3A_3, %get3A_8 : vector<2048x128xf32>
    %get3A_9 = arith.constant 0 : index
    %get3A_10 = arith.constant 0 : index
    %get3A_11 = vector.load %arg2[%get3A_9, %get3A_10] : memref<2048x128xf32, #tpu.memory_space<vmem>>, vector<2048x128xf32>
    %add3A_12 = arith.addf %add3A, %get3A_11 : vector<2048x128xf32>
    %get3A_13 = arith.constant 0 : index
    %get3A_14 = arith.constant 0 : index
    %get3A_15 = vector.load %arg3[%get3A_13, %get3A_14] : memref<2048x128xf32, #tpu.memory_space<vmem>>, vector<2048x128xf32>
    %mul3A = arith.mulf %add3A_12, %get3A_15 : vector<2048x128xf32>
    %get3A_16 = arith.constant 0 : index
    %get3A_17 = arith.constant 0 : index
    %get3A_18 = vector.load %arg4[%get3A_16, %get3A_17] : memref<128x128xf32, #tpu.memory_space<vmem>>, vector<128x128xf32>
    %dot_general3A = arith.constant dense<0.000000e+00> : vector<2048x128xf32>
    %dot_general3A_19 = tpu.matmul %mul3A, %get3A_18, %dot_general3A {dimension_numbers = #tpu.dot_dimension_numbers<[1], [1], [0], [0], [0, 0, 1, 0], [], []>, transpose_lhs_hint = false} : vector<2048x128xf32>, vector<128x128xf32>, vector<2048x128xf32> -> vector<2048x128xf32>
    %get3A_20 = arith.constant 0 : index
    %get3A_21 = arith.constant 0 : index
    %get3A_22 = vector.load %arg5[%get3A_20, %get3A_21] : memref<1x128xf32, #tpu.memory_space<vmem>>, vector<1x128xf32>
    %add3A_23 = vector.broadcast %get3A_22 : vector<1x128xf32> to vector<2048x128xf32>
    %add3A_24 = arith.addf %dot_general3A_19, %add3A_23 : vector<2048x128xf32>
    %max3A = arith.constant 0.000000e+00 : f32
    %max3A_25 = vector.broadcast %max3A : f32 to vector<2048x128xf32>
    %max3A_26 = arith.maximumf %add3A_24, %max3A_25 : vector<2048x128xf32>
    %get3A_27 = arith.constant 0 : index
    %get3A_28 = arith.constant 0 : index
    %get3A_29 = vector.load %arg3[%get3A_27, %get3A_28] : memref<2048x128xf32, #tpu.memory_space<vmem>>, vector<2048x128xf32>
    %mul3A_30 = arith.mulf %max3A_26, %get3A_29 : vector<2048x128xf32>
    %swap3A = arith.constant 0 : index
    %swap3A_31 = arith.constant 0 : index
    %swap3A_32 = vector.load %arg6[%swap3A, %swap3A_31] : memref<2048x128xf32, #tpu.memory_space<vmem>>, vector<2048x128xf32>
    tpu.vector_store %arg6[%swap3A, %swap3A_31], %mul3A_30 {strides = array<i32>} : memref<2048x128xf32, #tpu.memory_space<vmem>>, vector<2048x128xf32>,
    return
  }
  func.func @transform_0(%arg0: i32) -> (i32, i32, i32) {
    %c0_i32 = arith.constant 0 : i32
    %c0_i32_0 = arith.constant 0 : i32
    %c0_i32_1 = arith.constant 0 : i32
    return %c0_i32, %arg0, %c0_i32_0 : i32, i32, i32
  }
  func.func @transform_1(%arg0: i32) -> (i32, i32) {
    %c0_i32 = arith.constant 0 : i32
    %c0_i32_0 = arith.constant 0 : i32
    return %arg0, %c0_i32 : i32, i32
  }
  func.func @transform_2(%arg0: i32) -> (i32, i32) {
    %c0_i32 = arith.constant 0 : i32
    %c0_i32_0 = arith.constant 0 : i32
    return %arg0, %c0_i32 : i32, i32
  }
  func.func @transform_3(%arg0: i32) -> (i32, i32) {
    %c0_i32 = arith.constant 0 : i32
    %c0_i32_0 = arith.constant 0 : i32
    %c0_i32_1 = arith.constant 0 : i32
    return %c0_i32, %c0_i32_0 : i32, i32
  }
  func.func @transform_4(%arg0: i32) -> (i32, i32) {
    %c0_i32 = arith.constant 0 : i32
    %c0_i32_0 = arith.constant 0 : i32
    %c0_i32_1 = arith.constant 0 : i32
    return %c0_i32, %c0_i32_0 : i32, i32
  }
  func.func @transform_5(%arg0: i32) -> (i32, i32) {
    %c0_i32 = arith.constant 0 : i32
    %c0_i32_0 = arith.constant 0 : i32
    return %arg0, %c0_i32 : i32, i32
  }
}

module attributes {stable_mosaic.version = 14 : i64} {
  func.func @_mm2_body(%arg0: i32, %arg1: memref<2x2048x128xf32, #tpu.memory_space<vmem>>, %arg2: memref<2048x128xf32, #tpu.memory_space<vmem>>, %arg3: memref<2048x128xf32, #tpu.memory_space<vmem>>, %arg4: memref<128x128xf32, #tpu.memory_space<vmem>>, %arg5: memref<1x128xf32, #tpu.memory_space<vmem>>, %arg6: memref<128x128xf32, #tpu.memory_space<vmem>>, %arg7: memref<1x128xf32, #tpu.memory_space<vmem>>, %arg8: memref<2048x128xf32, #tpu.memory_space<vmem>>, %arg9: memref<2048x128xf32, #tpu.memory_space<vmem>>) attributes {dimension_semantics = [#tpu.dimension_semantics<arbitrary>], iteration_bounds = array<i64: 5>, scalar_prefetch = 0 : i64, scratch_operands = 0 : i64, tpu.core_type = #tpu.core_type<tc>, window_params = [{transform_indices = @transform_0, window_bounds = array<i64: 2, 2048, 128>}, {transform_indices = @transform_1, window_bounds = array<i64: 2048, 128>}, {transform_indices = @transform_2, window_bounds = array<i64: 2048, 128>}, {pipeline_mode = #tpu.pipeline_mode<synchronous>, transform_indices = @transform_3, window_bounds = array<i64: 128, 128>}, {pipeline_mode = #tpu.pipeline_mode<synchronous>, transform_indices = @transform_4, window_bounds = array<i64: 1, 128>}, {pipeline_mode = #tpu.pipeline_mode<synchronous>, transform_indices = @transform_5, window_bounds = array<i64: 128, 128>}, {pipeline_mode = #tpu.pipeline_mode<synchronous>, transform_indices = @transform_6, window_bounds = array<i64: 1, 128>}, {transform_indices = @transform_7, window_bounds = array<i64: 2048, 128>}, {transform_indices = @transform_8, window_bounds = array<i64: 2048, 128>}]} {
    %get3A = arith.constant 0 : index
    %get3A_0 = arith.constant 0 : index
    %get3A_1 = arith.constant 0 : index
    %get3A_2 = vector.load %arg1[%get3A, %get3A_0, %get3A_1] : memref<2x2048x128xf32, #tpu.memory_space<vmem>>, vector<1x2048x128xf32>
    %get3A_3 = vector.shape_cast %get3A_2 : vector<1x2048x128xf32> to vector<2048x128xf32>
    %get3A_4 = arith.constant 1 : index
    %get3A_5 = arith.constant 0 : index
    %get3A_6 = arith.constant 0 : index
    %get3A_7 = vector.load %arg1[%get3A_4, %get3A_5, %get3A_6] : memref<2x2048x128xf32, #tpu.memory_space<vmem>>, vector<1x2048x128xf32>
    %get3A_8 = vector.shape_cast %get3A_7 : vector<1x2048x128xf32> to vector<2048x128xf32>
    %add3A = arith.addf %get3A_3, %get3A_8 : vector<2048x128xf32>
    %get3A_9 = arith.constant 0 : index
    %get3A_10 = arith.constant 0 : index
    %get3A_11 = vector.load %arg2[%get3A_9, %get3A_10] : memref<2048x128xf32, #tpu.memory_space<vmem>>, vector<2048x128xf32>
    %add3A_12 = arith.addf %add3A, %get3A_11 : vector<2048x128xf32>
    %get3A_13 = arith.constant 0 : index
    %get3A_14 = arith.constant 0 : index
    %get3A_15 = vector.load %arg3[%get3A_13, %get3A_14] : memref<2048x128xf32, #tpu.memory_space<vmem>>, vector<2048x128xf32>
    %mul3A = arith.mulf %add3A_12, %get3A_15 : vector<2048x128xf32>
    %get3A_16 = arith.constant 0 : index
    %get3A_17 = arith.constant 0 : index
    %get3A_18 = vector.load %arg4[%get3A_16, %get3A_17] : memref<128x128xf32, #tpu.memory_space<vmem>>, vector<128x128xf32>
    %dot_general3A = arith.constant dense<0.000000e+00> : vector<2048x128xf32>
    %dot_general3A_19 = tpu.matmul %mul3A, %get3A_18, %dot_general3A {dimension_numbers = #tpu.dot_dimension_numbers<[1], [1], [0], [0], [0, 0, 1, 0], [], []>, transpose_lhs_hint = false} : vector<2048x128xf32>, vector<128x128xf32>, vector<2048x128xf32> -> vector<2048x128xf32>
    %get3A_20 = arith.constant 0 : index
    %get3A_21 = arith.constant 0 : index
    %get3A_22 = vector.load %arg5[%get3A_20, %get3A_21] : memref<1x128xf32, #tpu.memory_space<vmem>>, vector<1x128xf32>
    %add3A_23 = vector.broadcast %get3A_22 : vector<1x128xf32> to vector<2048x128xf32>
    %add3A_24 = arith.addf %dot_general3A_19, %add3A_23 : vector<2048x128xf32>
    %swap3A = arith.constant 0 : index
    %swap3A_25 = arith.constant 0 : index
    %swap3A_26 = vector.load %arg8[%swap3A, %swap3A_25] : memref<2048x128xf32, #tpu.memory_space<vmem>>, vector<2048x128xf32>
    tpu.vector_store %arg8[%swap3A, %swap3A_25], %add3A_24 {strides = array<i32>} : memref<2048x128xf32, #tpu.memory_space<vmem>>, vector<2048x128xf32>,
    %get3A_27 = arith.constant 0 : index
    %get3A_28 = arith.constant 0 : index
    %get3A_29 = vector.load %arg6[%get3A_27, %get3A_28] : memref<128x128xf32, #tpu.memory_space<vmem>>, vector<128x128xf32>
    %dot_general3A_30 = arith.constant dense<0.000000e+00> : vector<2048x128xf32>
    %dot_general3A_31 = tpu.matmul %mul3A, %get3A_29, %dot_general3A_30 {dimension_numbers = #tpu.dot_dimension_numbers<[1], [1], [0], [0], [0, 0, 1, 0], [], []>, transpose_lhs_hint = false} : vector<2048x128xf32>, vector<128x128xf32>, vector<2048x128xf32> -> vector<2048x128xf32>
    %get3A_32 = arith.constant 0 : index
    %get3A_33 = arith.constant 0 : index
    %get3A_34 = vector.load %arg7[%get3A_32, %get3A_33] : memref<1x128xf32, #tpu.memory_space<vmem>>, vector<1x128xf32>
    %add3A_35 = vector.broadcast %get3A_34 : vector<1x128xf32> to vector<2048x128xf32>
    %add3A_36 = arith.addf %dot_general3A_31, %add3A_35 : vector<2048x128xf32>
    %swap3A_37 = arith.constant 0 : index
    %swap3A_38 = arith.constant 0 : index
    %swap3A_39 = vector.load %arg9[%swap3A_37, %swap3A_38] : memref<2048x128xf32, #tpu.memory_space<vmem>>, vector<2048x128xf32>
    tpu.vector_store %arg9[%swap3A_37, %swap3A_38], %add3A_36 {strides = array<i32>} : memref<2048x128xf32, #tpu.memory_space<vmem>>, vector<2048x128xf32>,
    return
  }
  func.func @transform_0(%arg0: i32) -> (i32, i32, i32) {
    %c0_i32 = arith.constant 0 : i32
    %c0_i32_0 = arith.constant 0 : i32
    %c0_i32_1 = arith.constant 0 : i32
    return %c0_i32, %arg0, %c0_i32_0 : i32, i32, i32
  }
  func.func @transform_1(%arg0: i32) -> (i32, i32) {
    %c0_i32 = arith.constant 0 : i32
    %c0_i32_0 = arith.constant 0 : i32
    return %arg0, %c0_i32 : i32, i32
  }
  func.func @transform_2(%arg0: i32) -> (i32, i32) {
    %c0_i32 = arith.constant 0 : i32
    %c0_i32_0 = arith.constant 0 : i32
    return %arg0, %c0_i32 : i32, i32
  }
  func.func @transform_3(%arg0: i32) -> (i32, i32) {
    %c0_i32 = arith.constant 0 : i32
    %c0_i32_0 = arith.constant 0 : i32
    %c0_i32_1 = arith.constant 0 : i32
    return %c0_i32, %c0_i32_0 : i32, i32
  }
  func.func @transform_4(%arg0: i32) -> (i32, i32) {
    %c0_i32 = arith.constant 0 : i32
    %c0_i32_0 = arith.constant 0 : i32
    %c0_i32_1 = arith.constant 0 : i32
    return %c0_i32, %c0_i32_0 : i32, i32
  }
  func.func @transform_5(%arg0: i32) -> (i32, i32) {
    %c0_i32 = arith.constant 0 : i32
    %c0_i32_0 = arith.constant 0 : i32
    %c0_i32_1 = arith.constant 0 : i32
    return %c0_i32, %c0_i32_0 : i32, i32
  }
  func.func @transform_6(%arg0: i32) -> (i32, i32) {
    %c0_i32 = arith.constant 0 : i32
    %c0_i32_0 = arith.constant 0 : i32
    %c0_i32_1 = arith.constant 0 : i32
    return %c0_i32, %c0_i32_0 : i32, i32
  }
  func.func @transform_7(%arg0: i32) -> (i32, i32) {
    %c0_i32 = arith.constant 0 : i32
    %c0_i32_0 = arith.constant 0 : i32
    return %arg0, %c0_i32 : i32, i32
  }
  func.func @transform_8(%arg0: i32) -> (i32, i32) {
    %c0_i32 = arith.constant 0 : i32
    %c0_i32_0 = arith.constant 0 : i32
    return %arg0, %c0_i32 : i32, i32
  }
}

</mosaic_0001>

<sc_bundles>
// kernel: kernel.11.cloned.1.call-start
scs
__scs_entry_jumppad:
0x0: {  	(pc) =	sbr.rel $0x88, $3  }
0x1: {  	(tag) =	ssettag $0x0;
	lr =	simm.s32 $0x1  }
0x2: {  	[smem:$0x3F99] =	sst lr;
	_ =	strace $0xD0000000  }
0x3: {  	_ = 	snop  }
0x4: {  	_ = 	snop  }
0x5: {  	_ = 	snop  }
0x6: {  	_ = 	snop  }
0x7: {  	_ = 	snop  }
__scs_overlays_trampoline_lowered:
0x8: {  	[smem:$0x3FA8] =	sst s0  }
0x9: {  	[smem:$0x3FA9] =	sst s1  }
0xa: {  	[smem:$0x3FAA] =	sst s2  }
0xb: {  	[smem:$0x3FAB] =	sst s3  }
0xc: {  	[smem:$0x3FAC] =	sst s4  }
0xd: {  	[smem:$0x3FAD] =	sst s5  }
0xe: {  	[smem:$0x3FAE] =	sst s6  }
0xf: {  	[smem:$0x3FAF] =	sst s7  }
0x10: {  	[smem:$0x3FB0] =	sst s8  }
0x11: {  	[smem:$0x3FB1] =	sst s9;
	s0 =	simm.s32 @!p0 $0x0  }
0x12: {  	s1 =	sld [smem:$0x3F97];
	s0 =	simm.s32 @p0 $0x1  }
0x13: {  	[smem:$0x3FB2] =	sst s0;
	s0 =	simm.s32 @!p1 $0x0  }
0x14: {  	s2 =	sld [smem:$0x3F96];
	s0 =	simm.s32 @p1 $0x1  }
0x15: {  	[smem:$0x3FB3] =	sst s0;
	s0 =	simm.s32 @!p2 $0x0  }
0x16: {  	s3 =	sld [smem:$0x3FDB];
	s0 =	simm.s32 @p2 $0x1  }
0x17: {  	s4 =	simm.s32 $0x1BF5;
	[smem:$0x3FB5] =	sst s0  }
0x18: {  	s0 =	sld [smem:$0x3F98];
	_ =	swait.ge [sflag:s4], $0x0  }
0x19: {  	s7 =	sld [smem:$0x3F99]  }
0x1a: {  	s8 =	sadd.s32 $0xFFFFE003, lr  }
0x1b: {  	s9 =	sadd.s32 $0xFFFFFEF7, lr;
	s5 =	simm.s32 $0xFFFFFFFF;
	p2 =	slt.u32 s8, $0xFFFFF086  }
0x1c: {  	p1 =	slt.u32 s9, $0xF7A;
	s5 =	simm.s32 @!p2 $0x0  }
0x1d: {  	s5 =	simm.s32 @p1 $0x1;
	p0 =	seq.s32 s7, s2  }
0x1e: {  	s7 =	smul.u32 @!p0 $0xF7A, s2;
	p2 =	seq.s32 @!p0 s5, $0x0  }
0x1f: {  	s9 =	smul.u32 $0xF7A, s1;
	s8 =	simm.s32 @!p0 $0x1BF5;
	p2 =	por !p2, p0  }
0x20: {  	[sflag:s8] =	ssyncset.s32 @!p0 $0xFFFFF086;
	s6 =	sadd.s32 @!p0 s3, s7;
	s7 =	simm.s32 @!p0 $0x108  }
0x21: {  	s3 =	sadd.s32 s3, s9;
	s6 =	sadd.s32 @!p0 $0x88, s6;
	s7 =	simm.s32 @p2 $0x1082  }
0x22: {  	[simem:s7], [sflag:s8] =	dma.local @!p0 [hbm:s6], $0xF7A  }
0x23: {  	s9 =	sor.u32 $0xD0000000, s2;
	s6 =	simm.s32 $0x108;
	_ =	swait.ge @!p0 [sflag:s8], $0x0  }
0x24: {  	s3 =	sadd.s32 $0x88, s3;
	s6 =	simm.s32 @!p1 $0x1082;
	[sflag:s4] =	ssyncset.s32 $0xFFFFF086  }
0x25: {  	[simem:s6], [sflag:s4] =	dma.local [hbm:s3], $0xF7A  }
0x26: {  	[smem:$0x3F99] =	sst s1;
	(tag) =	ssettag s2;
	_ =	strace s9  }
0x27: {  	s1 =	sld [smem:$0x3FA9]  }
0x28: {  	s2 =	sld [smem:$0x3FAA]  }
0x29: {  	s4 =	sld [smem:$0x3FAC]  }
0x2a: {  	p0 =	seq.s32 s5, $0x0;
	s5 =	sld [smem:$0x3FAD]  }
0x2b: {  	s6 =	sld [smem:$0x3FAE]  }
0x2c: {  	s7 =	sld [smem:$0x3FAF]  }
0x2d: {  	s3 =	simm.s32 $0x108;
	s8 =	sld [smem:$0x3FB0]  }
0x2e: {  	s3 =	simm.s32 @!p0 $0x1082;
	s9 =	sld [smem:$0x3FB1]  }
0x2f: {  	lr =	sadd.s32 s0, s3;
	s0 =	sld [smem:$0x3FA8]  }
0x30: {  	s3 =	sld [smem:$0x3FAB]  }
0x31: {  	[smem:$0x3FB4] =	sst s10  }
0x32: {  	s10 =	sld [smem:$0x3FB2];
	_ =	sdelay $0x3  }
0x33: {  	p0 =	seq.s32 s10, $0x1;
	s10 =	sld [smem:$0x3FB4];
	_ =	sdelay $0x3  }
0x34: {  	[smem:$0x3FB4] =	sst s10  }
0x35: {  	s10 =	sld [smem:$0x3FB3];
	_ =	sdelay $0x3  }
0x36: {  	p1 =	seq.s32 s10, $0x1;
	s10 =	sld [smem:$0x3FB4];
	_ =	sdelay $0x3  }
0x37: {  	[smem:$0x3FB4] =	sst s10  }
0x38: {  	s10 =	sld [smem:$0x3FB5]  }
0x39: {  	_ = 	snop;
	(pc) =	sbr.ind lr, $3  }
0x3a: {  	_ = 	snop  }
0x3b: {  	_ = 	snop  }
0x3c: {  	p2 =	seq.s32 s10, $0x1;
	s10 =	sld [smem:$0x3FB4]  }
0x3d: {  	_ =	shalt  }
0x3e: {  	_ =	shalt  }
0x3f: {  	_ =	shalt  }
0x40: {  	_ =	shalt  }
0x41: {  	_ =	shalt  }
0x42: {  	_ =	shalt  }
0x43: {  	_ =	shalt  }
0x44: {  	_ =	shalt  }
0x45: {  	_ =	shalt  }
0x46: {  	_ =	shalt  }
0x47: {  	_ =	shalt  }
0x48: {  	_ =	shalt  }
0x49: {  	_ =	shalt  }
0x4a: {  	_ =	shalt  }
0x4b: {  	_ =	shalt  }
0x4c: {  	_ =	shalt  }
0x4d: {  	_ =	shalt  }
0x4e: {  	_ =	shalt  }
0x4f: {  	_ =	shalt  }
0x50: {  	_ =	shalt  }
0x51: {  	_ =	shalt  }
0x52: {  	_ =	shalt  }
0x53: {  	_ =	shalt  }
0x54: {  	_ =	shalt  }
0x55: {  	_ =	shalt  }
0x56: {  	_ =	shalt  }
0x57: {  	_ =	shalt  }
0x58: {  	_ =	shalt  }
0x59: {  	_ =	shalt  }
0x5a: {  	_ =	shalt  }
0x5b: {  	_ =	shalt  }
0x5c: {  	_ =	shalt  }
0x5d: {  	_ =	shalt  }
0x5e: {  	_ =	shalt  }
0x5f: {  	_ =	shalt  }
0x60: {  	_ =	shalt  }
0x61: {  	_ =	shalt  }
0x62: {  	_ =	shalt  }
0x63: {  	_ =	shalt  }
0x64: {  	_ =	shalt  }
0x65: {  	_ =	shalt  }
0x66: {  	_ =	shalt  }
0x67: {  	_ =	shalt  }
0x68: {  	_ =	shalt  }
0x69: {  	_ =	shalt  }
0x6a: {  	_ =	shalt  }
0x6b: {  	_ =	shalt  }
0x6c: {  	_ =	shalt  }
0x6d: {  	_ =	shalt  }
0x6e: {  	_ =	shalt  }
0x6f: {  	_ =	shalt  }
0x70: {  	_ =	shalt  }
0x71: {  	_ =	shalt  }
0x72: {  	_ =	shalt  }
0x73: {  	_ =	shalt  }
0x74: {  	_ =	shalt  }
0x75: {  	_ =	shalt  }
0x76: {  	_ =	shalt  }
0x77: {  	_ =	shalt  }
0x78: {  	_ =	shalt  }
0x79: {  	_ =	shalt  }
0x7a: {  	_ =	shalt  }
0x7b: {  	_ =	shalt  }
0x7c: {  	_ =	shalt  }
0x7d: {  	_ =	shalt  }
0x7e: {  	_ =	shalt  }
0x7f: {  	_ =	shalt  }
0x80: {  	_ =	shalt  }
0x81: {  	_ =	shalt  }
0x82: {  	_ =	shalt  }
0x83: {  	_ =	shalt  }
0x84: {  	_ =	shalt  }
0x85: {  	_ =	shalt  }
0x86: {  	_ =	shalt  }
0x87: {  	_ =	shalt  }
.Lfunc_end0:
.L_simem_size_0:
called_computation.1_lowered:
.L_overlay_start_0:
0x88: {  	s2 =	sld [smem:$0x3FD9]  }
0x89: {  	s3 =	sld [smem:$0x3FFE];
	_ =	sdelay $0x1  }
0x8a: {  	s1 =	srdreg.scid  }
0x8b: {  	s0 =	sand.u32 $0x1, s1  }
0x8c: {  	s14 =	sshll.u32 s0, $0xA;
	s2 =	sadd.s32 s3, s2  }
0x8d: {  	s2 =	sadd.s32 s2, s14  }
0x8e: {  	[smem:$0x3FC0] =	sst s2  }
0x8f: {  	_ = 	snop  }
0x90: {  	s2 =	sld [smem:$0x3FD0];
	_ =	sdelay $0x2  }
0x91: {  	s15 =	simm.s32 $0xA;
	s4 =	simm.s32 $0x10  }
0x92: {  	[smem:s4], [sflag:s15] =	dma.local [hbm:s2], $0x1  }
0x93: {  	_ =	swait.eq [sflag:s15], $0x1  }
0x94: {  	[sflag:s15] =	ssyncset.done $0x0  }
0x95: {  	s16 =	sld [smem:$0x10];
	[sflag:s15] =	ssyncadd.s32 $0xFFFFFFFF  }
0x96: {  	s17 =	sld [smem:$0x11];
	(tm) =	ssettm $0x1  }
0x97: {  	s18 =	sld [smem:$0x3FFB];
	_ =	sdelay $0x3  }
0x98: {  	_ =	strace s18  }
0x99: {  	s4 =	sld [smem:$0x3FFC];
	_ =	sdelay $0x3  }
0x9a: {  	_ =	strace s4  }
0x9b: {  	s4 =	sld [smem:$0x3FFD];
	_ =	sdelay $0x3  }
0x9c: {  	_ =	strace s4  }
0x9d: {  	_ =	strace $0x8FFFFFFF  }
0x9e: {  	s19 =	sld [smem:$0x3FDB];
	_ =	sdelay $0x1  }
0x9f: {  	s5 =	simm.s32 $_scs_section_size  }
0xa0: {  	s6 =	simm.s32 $_size__tile_overlayer_lowered;
	s7 =	simm.s32 $_tile_overlayer_lowered  }
0xa1: {  	s22 =	simm.s32 $0x1BFF;
	s21 =	sshll.u32 s7, $0x1;
	s4 =	sadd.s32 s5, s19  }
0xa2: {  	s8 =	simm.s32 $0x0;
	s20 =	sshll.u32 s6, $0x1;
	s6 =	sadd.s32 s21, s4  }
0xa3: {  	[timem:s8], [sflag:s22] =	dma.local [hbm:s6], s20  }
0xa4: {  	_ =	swait.ge [sflag:s22], s20  }
0xa5: {  	s5 =	ssub.s32 $0x0, s20;
	[sflag:s22] =	ssyncset.done $0x0  }
0xa6: {  	[sflag:s22] =	ssyncadd.s32 s5;
	_ =	sdelay $0x1  }
0xa7: {  	s23 =	simm.s32 $0x1B8B  }
0xa8: {  	_ =	swait.ge [sflag:s23], $0x1  }
0xa9: {  	[sflag:s23] =	ssyncset.done $0x0  }
0xaa: {  	s25 =	simm.s32 $0x1B8E;
	s24 =	sld [smem:$0x3FFE];
	[sflag:s23] =	ssyncadd.s32 $0xFFFFFFFF  }
0xab: {  	s26 =	simm.s32 $execute0_lowered;
	[smem:$0x3FD2] =	sst s25  }
0xac: {  	s6 =	sshll.u32 s26, $0x1;
	_ =	strace $0x80000049;
	[dreg:$0x1] =	wrdreg $0xFFFFFFFF  }
0xad: {  	s28 =	simm.s32 $_size_execute0_lowered;
	s4 =	sadd.s32 s4, s6;
	[dreg:$0x0] =	wrdreg $0x0  }
0xae: {  	s6 =	sshll.u32 s28, $0x1;
	[dreg:$0x2] =	wrdreg s4  }
0xaf: {  	[dreg:$0x3] =	wrdreg s6  }
0xb0: {  	[dreg:$0x4] =	wrdreg $0xC0  }
0xb1: {  	_ =	task [dreg:s8], $0x5FFFF  }
0xb2: {  	[dreg:$0x1] =	wrdreg $0xFFFFFFFF  }
0xb3: {  	[dreg:$0x0] =	wrdreg $0x60  }
0xb4: {  	[dreg:$0x2] =	wrdreg s17  }
0xb5: {  	[dreg:$0x3] =	wrdreg s16  }
0xb6: {  	[dreg:$0x4] =	wrdreg s24  }
0xb7: {  	[dreg:$0x5] =	wrdreg $0x41000  }
0xb8: {  	[dreg:$0x6] =	wrdreg $0x9  }
0xb9: {  	_ =	task.clear_ibuf [dreg:s8], $0x7FFFF;
	_ =	strace $0x90000049  }
0xba: {  	s29 =	simm.s32 $0x9;
	_ =	strace $0x8000004B  }
0xbb: {  	_ =	swait.ge [sflag:s29], $0x1  }
0xbc: {  	[sflag:s29] =	ssyncadd.s32 $0xFFFFFFFF  }
0xbd: {  	_ =	strace $0x9000004B  }
0xbe: {  	_ =	sfence  }
0xbf: {  	s30 =	sld [smem:$0x0];
	_ =	sdelay $0x2  }
0xc0: {  	s31 =	sshll.u32 s1, $0xD;
	s1 =	sshrl.u32 s1, $0x2  }
0xc1: {  	s3 =	sand.u32 $0x4000, s31;
	s1 =	sadd.s32 s1, s30  }
0xc2: {  	s0 =	sor.u32 s3, s0;
	s1 =	sshll.u32 s1, $0x11  }
0xc3: {  	s0 =	sor.u32 s1, s0  }
0xc4: {  	s0 =	sadd.s32 $0x8F2B, s0  }
0xc5: {  	[sflag:s0] =	ssyncadd.remote.s32 $0x1  }
0xc6: {  	_ =	sfence.sel $0xFFFF  }
0xc7: {  	[dreg:$0x0] =	wrdreg $0xFFFFFFFF;
	(pc) =	sbr.abs _section_cstart, $3  }
0xc8: {  	[dreg:$0x1] =	wrdreg $0xFFFFFFFF  }
0xc9: {  	_ =	task.clear_ibuf [dreg:s8], $0x2FFFF;
	_ =	strace $0x9FFFFFFF  }
0xca: {  	(tm) =	ssettm $0x7FFFFFFF  }
0xcb: {  	_ =	shalt  }
tec
execute0_lowered:
.L_overlay_start_1:
0x0: {  	(tag) =	ssettag $0x1  }
0x1: {  	s8 =	rddreg [dreg:$0x0]  }
0x2: {  	s9 =	rddreg [dreg:$0x1]  }
0x3: {  	s5 =	rddreg [dreg:$0x2]  }
0x4: {  	s2 =	rddreg [dreg:$0x3]  }
0x5: {  	s0 =	rddreg [dreg:$0x4];
	s1 =	stileid.u32  }
0x6: {  	s4 =	srdreg.scid;
	s3 =	simm.s32 $0x0;
	s6 =	smul.u32 $0x14000, s1  }
0x7: {  	s15 =	simm.s32 $0x1;
	s16 =	simm.s32 $0x0;
	s12 =	smul.u32 $0x50000, s1  }
0x8: {  	s7 =	sand.u32 $0x1, s4;
	[smem:$0x7FF] =	sst s3;
	s31 =	smul.u32 $0x4F0, s1  }
0x9: {  	s4 =	sadd.s32 $0x2400, s5;
	s29 =	sshll.u32 s1, $0x6;
	s10 =	smul.u32 $0x140000, s7  }
0xa: {  	_ =	strace $0x8000004A;
	s26 =	ssub.s32 $0x2, s7;
	s30 =	smul.u32 $0x4F00, s7  }
0xb: {  	s11 =	sshrl.u32 s6, $0x3;
	s13 =	sshrl.u32 s26, $0x1;
	s28 =	sshrl.u32 s12, $0x2  }
0xc: {  	s6 =	sadd.s32 s6, s10;
	s11 =	sadd.s32 s11, s5;
	s10 =	ssub.s32 s26, s13  }
0xd: {  	s12 =	sadd.s32 s28, s2;
	s9 =	sadd.s32 s30, s9;
	s13 =	sadd.s32 s30, s8  }
0xe: {  	s6 =	sshrl.u32 s6, $0x3;
	s8 =	smax.u32 s10, $0x1;
	s9 =	sadd.s32 s31, s9  }
0xf: {  	s10 =	sadd.s32 s31, s13;
	s13 =	simm.s32 $0x80;
	s14 =	sadd.s32 s6, s5  }
0x10: {  	s5 =	sadd.s32 $0x2A400, s11;
	s6 =	sor.u32 $0x1C02, s29;
	s11 =	sshrl.u32 s12, $0x3  }
0x11: {  	s12 =	simm.s32 $0x2;
	s7 =	sadd.s32 $0x52400, s14;
	s14 =	simm.s32 $0x100  }
.LBB2_1:
0x12: {  	[spmem:s11], [sflag:s6] =	dma.local [hbm:s5], $0x2800  }
0x13: {  	_ =	swait.ge [sflag:s12], $0x2800  }
0x14: {  	[sflag:s12] =	ssyncset.done $0x0  }
0x15: {  	[sflag:s12] =	ssyncadd.s32 $0xFFFFD800  }
0x16: {  	s17 =	sadd.s32 $0x0, s10;
	[bflag:$0x0] =	sbarrier.arrive $0xFFFF  }
0x17: {  	[tilespmem:s3], [sflag:$0x2] =	stream.linear.gather [hbm4b:s17+s3], $0x80, $0x38;
	[tilespmem:$0x18100] =	vst v63  }
0x18: {  	_ =	swait.ge [sflag:s12], $0x80  }
0x19: {  	[sflag:s12] =	ssyncset.done $0x0  }
0x1a: {  	s31 =	sadd.s32 $0x0, s9;
	[sflag:s12] =	ssyncadd.s32 $0xFFFFFF80  }
0x1b: {  	[tilespmem:s13], [sflag:$0x2] =	stream.linear.gather [hbm4b:s31+s3], $0x80, $0x38;
	[tilespmem:$0x18100] =	vst v63  }
0x1c: {  	_ =	swait.ge [sflag:s12], $0x80  }
0x1d: {  	[sflag:s12] =	ssyncset.done $0x0  }
0x1e: {  	[sflag:s12] =	ssyncadd.s32 $0xFFFFFF80  }
0x1f: {  	[tilespmem:s14], [sflag:$0x1] =	stream.indirect.gather [hbm4b:s4+s13], $0x80, s3, s13, $0xb8;
	[tilespmem:$0x18100] =	vst v63  }
0x20: {  	_ =	swait.ge [sflag:s15], $0x4000  }
0x21: {  	[sflag:s15] =	ssyncset.done $0x0  }
0x22: {  	[sflag:s15] =	ssyncadd.s32 $0xFFFFC000  }
0x23: {  	[spmem:s2] =	stream.indirect.scatter.add.f32 [tilespmem:s14], [sflag:$0x2], $0x80, s13, s13, $0xb8;
	[tilespmem:$0x18100] =	vst v63  }
0x24: {  	_ =	swait.ge [sflag:s12], $0x4000  }
0x25: {  	s18 =	simm.s32 $0x20;
	s17 =	simm.s32 $0x10;
	[sflag:s12] =	ssyncset.done $0x0  }
.LBB2_2:
0x26: {  	s19 =	sadd.s32 s17, s10  }
0x27: {  	[sflag:s12] =	ssyncadd.s32 $0xFFFFC000;
	s20 =	smov.u32 s18;
	s21 =	sadd.s32 $0x10, s18  }
0x28: {  	[tilespmem:s3], [sflag:$0x2] =	stream.linear.gather [hbm4b:s19+s3], $0x80, $0x38;
	[tilespmem:$0x18100] =	vst v63  }
0x29: {  	p0 =	sne.s32 s18, $0x4E0;
	_ =	swait.ge [sflag:s12], $0x80  }
0x2a: {  	[sflag:s12] =	ssyncset.done $0x0  }
0x2b: {  	s18 =	sadd.s32 s17, s9;
	s17 =	smov.u32 s20;
	[sflag:s12] =	ssyncadd.s32 $0xFFFFFF80  }
0x2c: {  	[tilespmem:s13], [sflag:$0x2] =	stream.linear.gather [hbm4b:s18+s3], $0x80, $0x38;
	[tilespmem:$0x18100] =	vst v63  }
0x2d: {  	_ =	swait.ge [sflag:s12], $0x80  }
0x2e: {  	[sflag:s12] =	ssyncset.done $0x0  }
0x2f: {  	[sflag:s12] =	ssyncadd.s32 $0xFFFFFF80  }
0x30: {  	[tilespmem:s14], [sflag:$0x1] =	stream.indirect.gather [hbm4b:s4+s13], $0x80, s3, s13, $0xb8;
	[tilespmem:$0x18100] =	vst v63  }
0x31: {  	_ =	swait.ge [sflag:s15], $0x4000  }
.Ltmp0:
0x32: {  	[sflag:s15] =	ssyncset.done $0x0;
	(pc) =	sbr.rel @p0 .LBB2_2-.Ltmp0, $4  }
0x33: {  	[sflag:s15] =	ssyncadd.s32 $0xFFFFC000  }
0x34: {  	[spmem:s2] =	stream.indirect.scatter.add.f32 [tilespmem:s14], [sflag:$0x2], $0x80, s13, s13, $0xb8;
	[tilespmem:$0x18100] =	vst v63  }
0x35: {  	_ =	swait.ge [sflag:s12], $0x4000  }
0x36: {  	s18 =	smov.u32 s21;
	[sflag:s12] =	ssyncset.done $0x0  }
0x37: {  	s18 =	sadd.s32 s17, s10;
	[sflag:s12] =	ssyncadd.s32 $0xFFFFC000  }
0x38: {  	[tilespmem:s3], [sflag:$0x2] =	stream.linear.gather [hbm4b:s18+s3], $0x80, $0x38;
	[tilespmem:$0x18100] =	vst v63  }
0x39: {  	_ =	swait.ge [sflag:s12], $0x80  }
0x3a: {  	[sflag:s12] =	ssyncset.done $0x0  }
0x3b: {  	s31 =	sadd.s32 s17, s9;
	[sflag:s12] =	ssyncadd.s32 $0xFFFFFF80  }
0x3c: {  	[tilespmem:s13], [sflag:$0x2] =	stream.linear.gather [hbm4b:s31+s3], $0x80, $0x38;
	[tilespmem:$0x18100] =	vst v63  }
0x3d: {  	_ =	swait.ge [sflag:s12], $0x80  }
0x3e: {  	[sflag:s12] =	ssyncset.done $0x0  }
0x3f: {  	[sflag:s12] =	ssyncadd.s32 $0xFFFFFF80  }
0x40: {  	[tilespmem:s14], [sflag:$0x1] =	stream.indirect.gather [hbm4b:s4+s13], $0x80, s3, s13, $0xb8;
	[tilespmem:$0x18100] =	vst v63  }
0x41: {  	_ =	swait.ge [sflag:s15], $0x4000  }
0x42: {  	[sflag:s15] =	ssyncset.done $0x0  }
0x43: {  	[sflag:s15] =	ssyncadd.s32 $0xFFFFC000  }
0x44: {  	[spmem:s2] =	stream.indirect.scatter.add.f32 [tilespmem:s14], [sflag:$0x2], $0x80, s13, s13, $0xb8;
	[tilespmem:$0x18100] =	vst v63  }
0x45: {  	_ =	swait.ge [sflag:s12], $0x4000  }
0x46: {  	s16 =	sadd.s32 $0x1, s16;
	[sflag:s12] =	ssyncset.done $0x0  }
0x47: {  	p0 =	sne.s32 s16, s8;
	[sflag:s12] =	ssyncadd.s32 $0xFFFFC000  }
.Ltmp1:
0x48: {  	[bflag:$0x0] =	sbarrier.arrive $0xFFFF;
	(pc) =	sbr.rel @p0 .LBB2_1-.Ltmp1, $4  }
0x49: {  	[hbm:s7], [sflag:s6] =	dma.local [spmem:s11], $0x2800  }
0x4a: {  	_ =	swait.ge [sflag:s12], $0x2800  }
0x4b: {  	[sflag:s12] =	ssyncset.done $0x0  }
0x4c: {  	[sflag:s12] =	ssyncadd.s32 $0xFFFFD800  }
0x4d: {  	_ =	sfence.sel $0x180000  }
0x4e: {  	[bflag:$0x0] =	sbarrier.arrive $0xFFFF  }
0x4f: {  	p0 =	sne.s32 s1, $0x0;
	_ =	strace $0x9000004A  }
0x50: {  	s0 =	sadd.s32 @!p0 $0x100000, s0;
	[bflag:$0x2] =	sbarrier.arrive $0xFFFF  }
0x51: {  	[sflag:s0] =	ssyncadd.tile.s32 @!p0 $0x1;
	_ =	shalt  }
.Lfunc_end2:
_tile_overlayer_lowered:
.L_overlay_start_2:
0x52: {  	(tag) =	ssettag $0x2  }
0x53: {  	s0 =	rddreg [dreg:$0x0];
	s2 =	stileid.u32  }
0x54: {  	s1 =	rddreg [dreg:$0x1];
	p0 =	sne.s32 s2, $0x0  }
0x55: {  	s3 =	rddreg [dreg:$0x2];
	[bflag:$0x3] =	sbarrier.arrive $0xFFFF;
	s2 =	simm.s32 @!p0 $0x1C02  }
0x56: {  	[timem:s3], [sflag:s2] =	dma.local @!p0 [hbm:s0], s1  }
0x57: {  	s0 =	simm.s32 @!p0 $0x2  }
0x58: {  	_ =	swait.ge @!p0 [sflag:s0], s1  }
0x59: {  	s1 =	ssub.s32 @!p0 $0x0, s1;
	[sflag:s0] =	ssyncset.done @!p0 $0x0  }
0x5a: {  	[sflag:s0] =	ssyncadd.s32 @!p0 s1  }
0x5b: {  	[bflag:$0x3] =	sbarrier.arrive $0xFFFF  }
0x5c: {  	_ =	shalt  }

// kernel: kernel.14.cloned.1.call-start
scs
__scs_entry_jumppad:
0x0: {  	(pc) =	sbr.rel $0x88, $3  }
0x1: {  	(tag) =	ssettag $0x0;
	lr =	simm.s32 $0x1  }
0x2: {  	[smem:$0x3F99] =	sst lr;
	_ =	strace $0xD0000000  }
0x3: {  	_ = 	snop  }
0x4: {  	_ = 	snop  }
0x5: {  	_ = 	snop  }
0x6: {  	_ = 	snop  }
0x7: {  	_ = 	snop  }
__scs_overlays_trampoline_lowered:
0x8: {  	[smem:$0x3FA8] =	sst s0  }
0x9: {  	[smem:$0x3FA9] =	sst s1  }
0xa: {  	[smem:$0x3FAA] =	sst s2  }
0xb: {  	[smem:$0x3FAB] =	sst s3  }
0xc: {  	[smem:$0x3FAC] =	sst s4  }
0xd: {  	[smem:$0x3FAD] =	sst s5  }
0xe: {  	[smem:$0x3FAE] =	sst s6  }
0xf: {  	[smem:$0x3FAF] =	sst s7  }
0x10: {  	[smem:$0x3FB0] =	sst s8  }
0x11: {  	[smem:$0x3FB1] =	sst s9;
	s0 =	simm.s32 @!p0 $0x0  }
0x12: {  	s1 =	sld [smem:$0x3F97];
	s0 =	simm.s32 @p0 $0x1  }
0x13: {  	[smem:$0x3FB2] =	sst s0;
	s0 =	simm.s32 @!p1 $0x0  }
0x14: {  	s2 =	sld [smem:$0x3F96];
	s0 =	simm.s32 @p1 $0x1  }
0x15: {  	[smem:$0x3FB3] =	sst s0;
	s0 =	simm.s32 @!p2 $0x0  }
0x16: {  	s3 =	sld [smem:$0x3FDB];
	s0 =	simm.s32 @p2 $0x1  }
0x17: {  	s4 =	simm.s32 $0x1BF5;
	[smem:$0x3FB5] =	sst s0  }
0x18: {  	s0 =	sld [smem:$0x3F98];
	_ =	swait.ge [sflag:s4], $0x0  }
0x19: {  	s7 =	sld [smem:$0x3F99]  }
0x1a: {  	s8 =	sadd.s32 $0xFFFFE003, lr  }
0x1b: {  	s9 =	sadd.s32 $0xFFFFFEF7, lr;
	s5 =	simm.s32 $0xFFFFFFFF;
	p2 =	slt.u32 s8, $0xFFFFF086  }
0x1c: {  	p1 =	slt.u32 s9, $0xF7A;
	s5 =	simm.s32 @!p2 $0x0  }
0x1d: {  	s5 =	simm.s32 @p1 $0x1;
	p0 =	seq.s32 s7, s2  }
0x1e: {  	s7 =	smul.u32 @!p0 $0xF7A, s2;
	p2 =	seq.s32 @!p0 s5, $0x0  }
0x1f: {  	s9 =	smul.u32 $0xF7A, s1;
	s8 =	simm.s32 @!p0 $0x1BF5;
	p2 =	por !p2, p0  }
0x20: {  	[sflag:s8] =	ssyncset.s32 @!p0 $0xFFFFF086;
	s6 =	sadd.s32 @!p0 s3, s7;
	s7 =	simm.s32 @!p0 $0x108  }
0x21: {  	s3 =	sadd.s32 s3, s9;
	s6 =	sadd.s32 @!p0 $0x88, s6;
	s7 =	simm.s32 @p2 $0x1082  }
0x22: {  	[simem:s7], [sflag:s8] =	dma.local @!p0 [hbm:s6], $0xF7A  }
0x23: {  	s9 =	sor.u32 $0xD0000000, s2;
	s6 =	simm.s32 $0x108;
	_ =	swait.ge @!p0 [sflag:s8], $0x0  }
0x24: {  	s3 =	sadd.s32 $0x88, s3;
	s6 =	simm.s32 @!p1 $0x1082;
	[sflag:s4] =	ssyncset.s32 $0xFFFFF086  }
0x25: {  	[simem:s6], [sflag:s4] =	dma.local [hbm:s3], $0xF7A  }
0x26: {  	[smem:$0x3F99] =	sst s1;
	(tag) =	ssettag s2;
	_ =	strace s9  }
0x27: {  	s1 =	sld [smem:$0x3FA9]  }
0x28: {  	s2 =	sld [smem:$0x3FAA]  }
0x29: {  	s4 =	sld [smem:$0x3FAC]  }
0x2a: {  	p0 =	seq.s32 s5, $0x0;
	s5 =	sld [smem:$0x3FAD]  }
0x2b: {  	s6 =	sld [smem:$0x3FAE]  }
0x2c: {  	s7 =	sld [smem:$0x3FAF]  }
0x2d: {  	s3 =	simm.s32 $0x108;
	s8 =	sld [smem:$0x3FB0]  }
0x2e: {  	s3 =	simm.s32 @!p0 $0x1082;
	s9 =	sld [smem:$0x3FB1]  }
0x2f: {  	lr =	sadd.s32 s0, s3;
	s0 =	sld [smem:$0x3FA8]  }
0x30: {  	s3 =	sld [smem:$0x3FAB]  }
0x31: {  	[smem:$0x3FB4] =	sst s10  }
0x32: {  	s10 =	sld [smem:$0x3FB2];
	_ =	sdelay $0x3  }
0x33: {  	p0 =	seq.s32 s10, $0x1;
	s10 =	sld [smem:$0x3FB4];
	_ =	sdelay $0x3  }
0x34: {  	[smem:$0x3FB4] =	sst s10  }
0x35: {  	s10 =	sld [smem:$0x3FB3];
	_ =	sdelay $0x3  }
0x36: {  	p1 =	seq.s32 s10, $0x1;
	s10 =	sld [smem:$0x3FB4];
	_ =	sdelay $0x3  }
0x37: {  	[smem:$0x3FB4] =	sst s10  }
0x38: {  	s10 =	sld [smem:$0x3FB5]  }
0x39: {  	_ = 	snop;
	(pc) =	sbr.ind lr, $3  }
0x3a: {  	_ = 	snop  }
0x3b: {  	_ = 	snop  }
0x3c: {  	p2 =	seq.s32 s10, $0x1;
	s10 =	sld [smem:$0x3FB4]  }
0x3d: {  	_ =	shalt  }
0x3e: {  	_ =	shalt  }
0x3f: {  	_ =	shalt  }
0x40: {  	_ =	shalt  }
0x41: {  	_ =	shalt  }
0x42: {  	_ =	shalt  }
0x43: {  	_ =	shalt  }
0x44: {  	_ =	shalt  }
0x45: {  	_ =	shalt  }
0x46: {  	_ =	shalt  }
0x47: {  	_ =	shalt  }
0x48: {  	_ =	shalt  }
0x49: {  	_ =	shalt  }
0x4a: {  	_ =	shalt  }
0x4b: {  	_ =	shalt  }
0x4c: {  	_ =	shalt  }
0x4d: {  	_ =	shalt  }
0x4e: {  	_ =	shalt  }
0x4f: {  	_ =	shalt  }
0x50: {  	_ =	shalt  }
0x51: {  	_ =	shalt  }
0x52: {  	_ =	shalt  }
0x53: {  	_ =	shalt  }
0x54: {  	_ =	shalt  }
0x55: {  	_ =	shalt  }
0x56: {  	_ =	shalt  }
0x57: {  	_ =	shalt  }
0x58: {  	_ =	shalt  }
0x59: {  	_ =	shalt  }
0x5a: {  	_ =	shalt  }
0x5b: {  	_ =	shalt  }
0x5c: {  	_ =	shalt  }
0x5d: {  	_ =	shalt  }
0x5e: {  	_ =	shalt  }
0x5f: {  	_ =	shalt  }
0x60: {  	_ =	shalt  }
0x61: {  	_ =	shalt  }
0x62: {  	_ =	shalt  }
0x63: {  	_ =	shalt  }
0x64: {  	_ =	shalt  }
0x65: {  	_ =	shalt  }
0x66: {  	_ =	shalt  }
0x67: {  	_ =	shalt  }
0x68: {  	_ =	shalt  }
0x69: {  	_ =	shalt  }
0x6a: {  	_ =	shalt  }
0x6b: {  	_ =	shalt  }
0x6c: {  	_ =	shalt  }
0x6d: {  	_ =	shalt  }
0x6e: {  	_ =	shalt  }
0x6f: {  	_ =	shalt  }
0x70: {  	_ =	shalt  }
0x71: {  	_ =	shalt  }
0x72: {  	_ =	shalt  }
0x73: {  	_ =	shalt  }
0x74: {  	_ =	shalt  }
0x75: {  	_ =	shalt  }
0x76: {  	_ =	shalt  }
0x77: {  	_ =	shalt  }
0x78: {  	_ =	shalt  }
0x79: {  	_ =	shalt  }
0x7a: {  	_ =	shalt  }
0x7b: {  	_ =	shalt  }
0x7c: {  	_ =	shalt  }
0x7d: {  	_ =	shalt  }
0x7e: {  	_ =	shalt  }
0x7f: {  	_ =	shalt  }
0x80: {  	_ =	shalt  }
0x81: {  	_ =	shalt  }
0x82: {  	_ =	shalt  }
0x83: {  	_ =	shalt  }
0x84: {  	_ =	shalt  }
0x85: {  	_ =	shalt  }
0x86: {  	_ =	shalt  }
0x87: {  	_ =	shalt  }
.Lfunc_end0:
.L_simem_size_0:
called_computation.2_lowered:
.L_overlay_start_0:
0x88: {  	s2 =	sld [smem:$0x3FD9]  }
0x89: {  	s3 =	sld [smem:$0x3FFE];
	_ =	sdelay $0x1  }
0x8a: {  	s1 =	srdreg.scid  }
0x8b: {  	s0 =	sand.u32 $0x1, s1  }
0x8c: {  	s14 =	sshll.u32 s0, $0xA;
	s2 =	sadd.s32 s3, s2  }
0x8d: {  	s2 =	sadd.s32 s2, s14  }
0x8e: {  	[smem:$0x3FC0] =	sst s2  }
0x8f: {  	_ = 	snop  }
0x90: {  	s2 =	sld [smem:$0x3FD0];
	_ =	sdelay $0x2  }
0x91: {  	s15 =	simm.s32 $0xA;
	s4 =	simm.s32 $0x10  }
0x92: {  	[smem:s4], [sflag:s15] =	dma.local [hbm:s2], $0x1  }
0x93: {  	_ =	swait.eq [sflag:s15], $0x1  }
0x94: {  	[sflag:s15] =	ssyncset.done $0x0  }
0x95: {  	s16 =	sld [smem:$0x10];
	[sflag:s15] =	ssyncadd.s32 $0xFFFFFFFF  }
0x96: {  	s17 =	sld [smem:$0x11];
	(tm) =	ssettm $0x1  }
0x97: {  	s18 =	sld [smem:$0x3FFB];
	_ =	sdelay $0x3  }
0x98: {  	_ =	strace s18  }
0x99: {  	s4 =	sld [smem:$0x3FFC];
	_ =	sdelay $0x3  }
0x9a: {  	_ =	strace s4  }
0x9b: {  	s4 =	sld [smem:$0x3FFD];
	_ =	sdelay $0x3  }
0x9c: {  	_ =	strace s4  }
0x9d: {  	_ =	strace $0x8FFFFFFF  }
0x9e: {  	s19 =	sld [smem:$0x3FDB];
	_ =	sdelay $0x1  }
0x9f: {  	s5 =	simm.s32 $_scs_section_size  }
0xa0: {  	s6 =	simm.s32 $_size__tile_overlayer_lowered;
	s7 =	simm.s32 $_tile_overlayer_lowered  }
0xa1: {  	s22 =	simm.s32 $0x1BFF;
	s21 =	sshll.u32 s7, $0x1;
	s4 =	sadd.s32 s5, s19  }
0xa2: {  	s8 =	simm.s32 $0x0;
	s20 =	sshll.u32 s6, $0x1;
	s6 =	sadd.s32 s21, s4  }
0xa3: {  	[timem:s8], [sflag:s22] =	dma.local [hbm:s6], s20  }
0xa4: {  	_ =	swait.ge [sflag:s22], s20  }
0xa5: {  	s5 =	ssub.s32 $0x0, s20;
	[sflag:s22] =	ssyncset.done $0x0  }
0xa6: {  	[sflag:s22] =	ssyncadd.s32 s5;
	_ =	sdelay $0x1  }
0xa7: {  	s23 =	simm.s32 $0x1B8B  }
0xa8: {  	_ =	swait.ge [sflag:s23], $0x1  }
0xa9: {  	[sflag:s23] =	ssyncset.done $0x0  }
0xaa: {  	s25 =	simm.s32 $0x1B8E;
	s24 =	sld [smem:$0x3FFE];
	[sflag:s23] =	ssyncadd.s32 $0xFFFFFFFF  }
0xab: {  	s26 =	simm.s32 $execute0_lowered;
	[smem:$0x3FD2] =	sst s25  }
0xac: {  	s6 =	sshll.u32 s26, $0x1;
	_ =	strace $0x8000004C;
	[dreg:$0x1] =	wrdreg $0xFFFFFFFF  }
0xad: {  	s28 =	simm.s32 $_size_execute0_lowered;
	s4 =	sadd.s32 s4, s6;
	[dreg:$0x0] =	wrdreg $0x0  }
0xae: {  	s6 =	sshll.u32 s28, $0x1;
	[dreg:$0x2] =	wrdreg s4  }
0xaf: {  	[dreg:$0x3] =	wrdreg s6  }
0xb0: {  	[dreg:$0x4] =	wrdreg $0xC0  }
0xb1: {  	_ =	task [dreg:s8], $0x5FFFF  }
0xb2: {  	[dreg:$0x1] =	wrdreg $0xFFFFFFFF  }
0xb3: {  	[dreg:$0x0] =	wrdreg $0x60  }
0xb4: {  	[dreg:$0x2] =	wrdreg s17  }
0xb5: {  	[dreg:$0x3] =	wrdreg s16  }
0xb6: {  	[dreg:$0x4] =	wrdreg s24  }
0xb7: {  	[dreg:$0x5] =	wrdreg $0x41000  }
0xb8: {  	[dreg:$0x6] =	wrdreg $0x9  }
0xb9: {  	_ =	task.clear_ibuf [dreg:s8], $0x7FFFF;
	_ =	strace $0x9000004C  }
0xba: {  	s29 =	simm.s32 $0x9;
	_ =	strace $0x8000004E  }
0xbb: {  	_ =	swait.ge [sflag:s29], $0x1  }
0xbc: {  	[sflag:s29] =	ssyncadd.s32 $0xFFFFFFFF  }
0xbd: {  	_ =	strace $0x9000004E  }
0xbe: {  	_ =	sfence  }
0xbf: {  	s30 =	sld [smem:$0x0];
	_ =	sdelay $0x2  }
0xc0: {  	s31 =	sshll.u32 s1, $0xD;
	s1 =	sshrl.u32 s1, $0x2  }
0xc1: {  	s3 =	sand.u32 $0x4000, s31;
	s1 =	sadd.s32 s1, s30  }
0xc2: {  	s0 =	sor.u32 s3, s0;
	s1 =	sshll.u32 s1, $0x11  }
0xc3: {  	s0 =	sor.u32 s1, s0  }
0xc4: {  	s0 =	sadd.s32 $0x8F2B, s0  }
0xc5: {  	[sflag:s0] =	ssyncadd.remote.s32 $0x1  }
0xc6: {  	_ =	sfence.sel $0xFFFF  }
0xc7: {  	[dreg:$0x0] =	wrdreg $0xFFFFFFFF;
	(pc) =	sbr.abs _section_cstart, $3  }
0xc8: {  	[dreg:$0x1] =	wrdreg $0xFFFFFFFF  }
0xc9: {  	_ =	task.clear_ibuf [dreg:s8], $0x2FFFF;
	_ =	strace $0x9FFFFFFF  }
0xca: {  	(tm) =	ssettm $0x7FFFFFFF  }
0xcb: {  	_ =	shalt  }
tec
execute0_lowered:
.L_overlay_start_1:
0x0: {  	(tag) =	ssettag $0x1  }
0x1: {  	s8 =	rddreg [dreg:$0x0]  }
0x2: {  	s9 =	rddreg [dreg:$0x1]  }
0x3: {  	s5 =	rddreg [dreg:$0x2]  }
0x4: {  	s2 =	rddreg [dreg:$0x3]  }
0x5: {  	s0 =	rddreg [dreg:$0x4];
	s1 =	stileid.u32  }
0x6: {  	s4 =	srdreg.scid;
	s3 =	simm.s32 $0x0;
	s6 =	smul.u32 $0x14000, s1  }
0x7: {  	s15 =	simm.s32 $0x1;
	s16 =	simm.s32 $0x0;
	s12 =	smul.u32 $0x50000, s1  }
0x8: {  	s7 =	sand.u32 $0x1, s4;
	[smem:$0x7FF] =	sst s3;
	s31 =	smul.u32 $0x4F0, s1  }
0x9: {  	s4 =	sadd.s32 $0x2400, s5;
	s29 =	sshll.u32 s1, $0x6;
	s10 =	smul.u32 $0x140000, s7  }
0xa: {  	_ =	strace $0x8000004D;
	s26 =	ssub.s32 $0x2, s7;
	s30 =	smul.u32 $0x4F00, s7  }
0xb: {  	s11 =	sshrl.u32 s6, $0x3;
	s13 =	sshrl.u32 s26, $0x1;
	s28 =	sshrl.u32 s12, $0x2  }
0xc: {  	s6 =	sadd.s32 s6, s10;
	s11 =	sadd.s32 s11, s5;
	s10 =	ssub.s32 s26, s13  }
0xd: {  	s12 =	sadd.s32 s28, s2;
	s9 =	sadd.s32 s30, s9;
	s13 =	sadd.s32 s30, s8  }
0xe: {  	s6 =	sshrl.u32 s6, $0x3;
	s8 =	smax.u32 s10, $0x1;
	s9 =	sadd.s32 s31, s9  }
0xf: {  	s10 =	sadd.s32 s31, s13;
	s13 =	simm.s32 $0x80;
	s14 =	sadd.s32 s6, s5  }
0x10: {  	s5 =	sadd.s32 $0x2A400, s11;
	s6 =	sor.u32 $0x1C02, s29;
	s11 =	sshrl.u32 s12, $0x3  }
0x11: {  	s12 =	simm.s32 $0x2;
	s7 =	sadd.s32 $0x52400, s14;
	s14 =	simm.s32 $0x100  }
.LBB2_1:
0x12: {  	[spmem:s11], [sflag:s6] =	dma.local [hbm:s5], $0x2800  }
0x13: {  	_ =	swait.ge [sflag:s12], $0x2800  }
0x14: {  	[sflag:s12] =	ssyncset.done $0x0  }
0x15: {  	[sflag:s12] =	ssyncadd.s32 $0xFFFFD800  }
0x16: {  	s17 =	sadd.s32 $0x0, s10;
	[bflag:$0x0] =	sbarrier.arrive $0xFFFF  }
0x17: {  	[tilespmem:s3], [sflag:$0x2] =	stream.linear.gather [hbm4b:s17+s3], $0x80, $0x38;
	[tilespmem:$0x18100] =	vst v63  }
0x18: {  	_ =	swait.ge [sflag:s12], $0x80  }
0x19: {  	[sflag:s12] =	ssyncset.done $0x0  }
0x1a: {  	s31 =	sadd.s32 $0x0, s9;
	[sflag:s12] =	ssyncadd.s32 $0xFFFFFF80  }
0x1b: {  	[tilespmem:s13], [sflag:$0x2] =	stream.linear.gather [hbm4b:s31+s3], $0x80, $0x38;
	[tilespmem:$0x18100] =	vst v63  }
0x1c: {  	_ =	swait.ge [sflag:s12], $0x80  }
0x1d: {  	[sflag:s12] =	ssyncset.done $0x0  }
0x1e: {  	[sflag:s12] =	ssyncadd.s32 $0xFFFFFF80  }
0x1f: {  	[tilespmem:s14], [sflag:$0x1] =	stream.indirect.gather [hbm4b:s4+s13], $0x80, s3, s13, $0xb8;
	[tilespmem:$0x18100] =	vst v63  }
0x20: {  	_ =	swait.ge [sflag:s15], $0x4000  }
0x21: {  	[sflag:s15] =	ssyncset.done $0x0  }
0x22: {  	[sflag:s15] =	ssyncadd.s32 $0xFFFFC000  }
0x23: {  	[spmem:s2] =	stream.indirect.scatter.add.f32 [tilespmem:s14], [sflag:$0x2], $0x80, s13, s13, $0xb8;
	[tilespmem:$0x18100] =	vst v63  }
0x24: {  	_ =	swait.ge [sflag:s12], $0x4000  }
0x25: {  	s18 =	simm.s32 $0x20;
	s17 =	simm.s32 $0x10;
	[sflag:s12] =	ssyncset.done $0x0  }
.LBB2_2:
0x26: {  	s19 =	sadd.s32 s17, s10  }
0x27: {  	[sflag:s12] =	ssyncadd.s32 $0xFFFFC000;
	s20 =	smov.u32 s18;
	s21 =	sadd.s32 $0x10, s18  }
0x28: {  	[tilespmem:s3], [sflag:$0x2] =	stream.linear.gather [hbm4b:s19+s3], $0x80, $0x38;
	[tilespmem:$0x18100] =	vst v63  }
0x29: {  	p0 =	sne.s32 s18, $0x4E0;
	_ =	swait.ge [sflag:s12], $0x80  }
0x2a: {  	[sflag:s12] =	ssyncset.done $0x0  }
0x2b: {  	s18 =	sadd.s32 s17, s9;
	s17 =	smov.u32 s20;
	[sflag:s12] =	ssyncadd.s32 $0xFFFFFF80  }
0x2c: {  	[tilespmem:s13], [sflag:$0x2] =	stream.linear.gather [hbm4b:s18+s3], $0x80, $0x38;
	[tilespmem:$0x18100] =	vst v63  }
0x2d: {  	_ =	swait.ge [sflag:s12], $0x80  }
0x2e: {  	[sflag:s12] =	ssyncset.done $0x0  }
0x2f: {  	[sflag:s12] =	ssyncadd.s32 $0xFFFFFF80  }
0x30: {  	[tilespmem:s14], [sflag:$0x1] =	stream.indirect.gather [hbm4b:s4+s13], $0x80, s3, s13, $0xb8;
	[tilespmem:$0x18100] =	vst v63  }
0x31: {  	_ =	swait.ge [sflag:s15], $0x4000  }
.Ltmp0:
0x32: {  	[sflag:s15] =	ssyncset.done $0x0;
	(pc) =	sbr.rel @p0 .LBB2_2-.Ltmp0, $4  }
0x33: {  	[sflag:s15] =	ssyncadd.s32 $0xFFFFC000  }
0x34: {  	[spmem:s2] =	stream.indirect.scatter.add.f32 [tilespmem:s14], [sflag:$0x2], $0x80, s13, s13, $0xb8;
	[tilespmem:$0x18100] =	vst v63  }
0x35: {  	_ =	swait.ge [sflag:s12], $0x4000  }
0x36: {  	s18 =	smov.u32 s21;
	[sflag:s12] =	ssyncset.done $0x0  }
0x37: {  	s18 =	sadd.s32 s17, s10;
	[sflag:s12] =	ssyncadd.s32 $0xFFFFC000  }
0x38: {  	[tilespmem:s3], [sflag:$0x2] =	stream.linear.gather [hbm4b:s18+s3], $0x80, $0x38;
	[tilespmem:$0x18100] =	vst v63  }
0x39: {  	_ =	swait.ge [sflag:s12], $0x80  }
0x3a: {  	[sflag:s12] =	ssyncset.done $0x0  }
0x3b: {  	s31 =	sadd.s32 s17, s9;
	[sflag:s12] =	ssyncadd.s32 $0xFFFFFF80  }
0x3c: {  	[tilespmem:s13], [sflag:$0x2] =	stream.linear.gather [hbm4b:s31+s3], $0x80, $0x38;
	[tilespmem:$0x18100] =	vst v63  }
0x3d: {  	_ =	swait.ge [sflag:s12], $0x80  }
0x3e: {  	[sflag:s12] =	ssyncset.done $0x0  }
0x3f: {  	[sflag:s12] =	ssyncadd.s32 $0xFFFFFF80  }
0x40: {  	[tilespmem:s14], [sflag:$0x1] =	stream.indirect.gather [hbm4b:s4+s13], $0x80, s3, s13, $0xb8;
	[tilespmem:$0x18100] =	vst v63  }
0x41: {  	_ =	swait.ge [sflag:s15], $0x4000  }
0x42: {  	[sflag:s15] =	ssyncset.done $0x0  }
0x43: {  	[sflag:s15] =	ssyncadd.s32 $0xFFFFC000  }
0x44: {  	[spmem:s2] =	stream.indirect.scatter.add.f32 [tilespmem:s14], [sflag:$0x2], $0x80, s13, s13, $0xb8;
	[tilespmem:$0x18100] =	vst v63  }
0x45: {  	_ =	swait.ge [sflag:s12], $0x4000  }
0x46: {  	s16 =	sadd.s32 $0x1, s16;
	[sflag:s12] =	ssyncset.done $0x0  }
0x47: {  	p0 =	sne.s32 s16, s8;
	[sflag:s12] =	ssyncadd.s32 $0xFFFFC000  }
.Ltmp1:
0x48: {  	[bflag:$0x0] =	sbarrier.arrive $0xFFFF;
	(pc) =	sbr.rel @p0 .LBB2_1-.Ltmp1, $4  }
0x49: {  	[hbm:s7], [sflag:s6] =	dma.local [spmem:s11], $0x2800  }
0x4a: {  	_ =	swait.ge [sflag:s12], $0x2800  }
0x4b: {  	[sflag:s12] =	ssyncset.done $0x0  }
0x4c: {  	[sflag:s12] =	ssyncadd.s32 $0xFFFFD800  }
0x4d: {  	_ =	sfence.sel $0x180000  }
0x4e: {  	[bflag:$0x0] =	sbarrier.arrive $0xFFFF  }
0x4f: {  	p0 =	sne.s32 s1, $0x0;
	_ =	strace $0x9000004D  }
0x50: {  	s0 =	sadd.s32 @!p0 $0x100000, s0;
	[bflag:$0x2] =	sbarrier.arrive $0xFFFF  }
0x51: {  	[sflag:s0] =	ssyncadd.tile.s32 @!p0 $0x1;
	_ =	shalt  }
.Lfunc_end2:
_tile_overlayer_lowered:
.L_overlay_start_2:
0x52: {  	(tag) =	ssettag $0x2  }
0x53: {  	s0 =	rddreg [dreg:$0x0];
	s2 =	stileid.u32  }
0x54: {  	s1 =	rddreg [dreg:$0x1];
	p0 =	sne.s32 s2, $0x0  }
0x55: {  	s3 =	rddreg [dreg:$0x2];
	[bflag:$0x3] =	sbarrier.arrive $0xFFFF;
	s2 =	simm.s32 @!p0 $0x1C02  }
0x56: {  	[timem:s3], [sflag:s2] =	dma.local @!p0 [hbm:s0], s1  }
0x57: {  	s0 =	simm.s32 @!p0 $0x2  }
0x58: {  	_ =	swait.ge @!p0 [sflag:s0], s1  }
0x59: {  	s1 =	ssub.s32 @!p0 $0x0, s1;
	[sflag:s0] =	ssyncset.done @!p0 $0x0  }
0x5a: {  	[sflag:s0] =	ssyncadd.s32 @!p0 s1  }
0x5b: {  	[bflag:$0x3] =	sbarrier.arrive $0xFFFF  }
0x5c: {  	_ =	shalt  }

// kernel: kernel.8.cloned.1.call-start
scs
__scs_entry_jumppad:
0x0: {  	(pc) =	sbr.rel $0x88, $3  }
0x1: {  	(tag) =	ssettag $0x0;
	lr =	simm.s32 $0x1  }
0x2: {  	[smem:$0x3F99] =	sst lr;
	_ =	strace $0xD0000000  }
0x3: {  	_ = 	snop  }
0x4: {  	_ = 	snop  }
0x5: {  	_ = 	snop  }
0x6: {  	_ = 	snop  }
0x7: {  	_ = 	snop  }
__scs_overlays_trampoline_lowered:
0x8: {  	[smem:$0x3FA8] =	sst s0  }
0x9: {  	[smem:$0x3FA9] =	sst s1  }
0xa: {  	[smem:$0x3FAA] =	sst s2  }
0xb: {  	[smem:$0x3FAB] =	sst s3  }
0xc: {  	[smem:$0x3FAC] =	sst s4  }
0xd: {  	[smem:$0x3FAD] =	sst s5  }
0xe: {  	[smem:$0x3FAE] =	sst s6  }
0xf: {  	[smem:$0x3FAF] =	sst s7  }
0x10: {  	[smem:$0x3FB0] =	sst s8  }
0x11: {  	[smem:$0x3FB1] =	sst s9;
	s0 =	simm.s32 @!p0 $0x0  }
0x12: {  	s1 =	sld [smem:$0x3F97];
	s0 =	simm.s32 @p0 $0x1  }
0x13: {  	[smem:$0x3FB2] =	sst s0;
	s0 =	simm.s32 @!p1 $0x0  }
0x14: {  	s2 =	sld [smem:$0x3F96];
	s0 =	simm.s32 @p1 $0x1  }
0x15: {  	[smem:$0x3FB3] =	sst s0;
	s0 =	simm.s32 @!p2 $0x0  }
0x16: {  	s3 =	sld [smem:$0x3FDB];
	s0 =	simm.s32 @p2 $0x1  }
0x17: {  	s4 =	simm.s32 $0x1BF5;
	[smem:$0x3FB5] =	sst s0  }
0x18: {  	s0 =	sld [smem:$0x3F98];
	_ =	swait.ge [sflag:s4], $0x0  }
0x19: {  	s7 =	sld [smem:$0x3F99]  }
0x1a: {  	s8 =	sadd.s32 $0xFFFFE003, lr  }
0x1b: {  	s9 =	sadd.s32 $0xFFFFFEF7, lr;
	s5 =	simm.s32 $0xFFFFFFFF;
	p2 =	slt.u32 s8, $0xFFFFF086  }
0x1c: {  	p1 =	slt.u32 s9, $0xF7A;
	s5 =	simm.s32 @!p2 $0x0  }
0x1d: {  	s5 =	simm.s32 @p1 $0x1;
	p0 =	seq.s32 s7, s2  }
0x1e: {  	s7 =	smul.u32 @!p0 $0xF7A, s2;
	p2 =	seq.s32 @!p0 s5, $0x0  }
0x1f: {  	s9 =	smul.u32 $0xF7A, s1;
	s8 =	simm.s32 @!p0 $0x1BF5;
	p2 =	por !p2, p0  }
0x20: {  	[sflag:s8] =	ssyncset.s32 @!p0 $0xFFFFF086;
	s6 =	sadd.s32 @!p0 s3, s7;
	s7 =	simm.s32 @!p0 $0x108  }
0x21: {  	s3 =	sadd.s32 s3, s9;
	s6 =	sadd.s32 @!p0 $0x88, s6;
	s7 =	simm.s32 @p2 $0x1082  }
0x22: {  	[simem:s7], [sflag:s8] =	dma.local @!p0 [hbm:s6], $0xF7A  }
0x23: {  	s9 =	sor.u32 $0xD0000000, s2;
	s6 =	simm.s32 $0x108;
	_ =	swait.ge @!p0 [sflag:s8], $0x0  }
0x24: {  	s3 =	sadd.s32 $0x88, s3;
	s6 =	simm.s32 @!p1 $0x1082;
	[sflag:s4] =	ssyncset.s32 $0xFFFFF086  }
0x25: {  	[simem:s6], [sflag:s4] =	dma.local [hbm:s3], $0xF7A  }
0x26: {  	[smem:$0x3F99] =	sst s1;
	(tag) =	ssettag s2;
	_ =	strace s9  }
0x27: {  	s1 =	sld [smem:$0x3FA9]  }
0x28: {  	s2 =	sld [smem:$0x3FAA]  }
0x29: {  	s4 =	sld [smem:$0x3FAC]  }
0x2a: {  	p0 =	seq.s32 s5, $0x0;
	s5 =	sld [smem:$0x3FAD]  }
0x2b: {  	s6 =	sld [smem:$0x3FAE]  }
0x2c: {  	s7 =	sld [smem:$0x3FAF]  }
0x2d: {  	s3 =	simm.s32 $0x108;
	s8 =	sld [smem:$0x3FB0]  }
0x2e: {  	s3 =	simm.s32 @!p0 $0x1082;
	s9 =	sld [smem:$0x3FB1]  }
0x2f: {  	lr =	sadd.s32 s0, s3;
	s0 =	sld [smem:$0x3FA8]  }
0x30: {  	s3 =	sld [smem:$0x3FAB]  }
0x31: {  	[smem:$0x3FB4] =	sst s10  }
0x32: {  	s10 =	sld [smem:$0x3FB2];
	_ =	sdelay $0x3  }
0x33: {  	p0 =	seq.s32 s10, $0x1;
	s10 =	sld [smem:$0x3FB4];
	_ =	sdelay $0x3  }
0x34: {  	[smem:$0x3FB4] =	sst s10  }
0x35: {  	s10 =	sld [smem:$0x3FB3];
	_ =	sdelay $0x3  }
0x36: {  	p1 =	seq.s32 s10, $0x1;
	s10 =	sld [smem:$0x3FB4];
	_ =	sdelay $0x3  }
0x37: {  	[smem:$0x3FB4] =	sst s10  }
0x38: {  	s10 =	sld [smem:$0x3FB5]  }
0x39: {  	_ = 	snop;
	(pc) =	sbr.ind lr, $3  }
0x3a: {  	_ = 	snop  }
0x3b: {  	_ = 	snop  }
0x3c: {  	p2 =	seq.s32 s10, $0x1;
	s10 =	sld [smem:$0x3FB4]  }
0x3d: {  	_ =	shalt  }
0x3e: {  	_ =	shalt  }
0x3f: {  	_ =	shalt  }
0x40: {  	_ =	shalt  }
0x41: {  	_ =	shalt  }
0x42: {  	_ =	shalt  }
0x43: {  	_ =	shalt  }
0x44: {  	_ =	shalt  }
0x45: {  	_ =	shalt  }
0x46: {  	_ =	shalt  }
0x47: {  	_ =	shalt  }
0x48: {  	_ =	shalt  }
0x49: {  	_ =	shalt  }
0x4a: {  	_ =	shalt  }
0x4b: {  	_ =	shalt  }
0x4c: {  	_ =	shalt  }
0x4d: {  	_ =	shalt  }
0x4e: {  	_ =	shalt  }
0x4f: {  	_ =	shalt  }
0x50: {  	_ =	shalt  }
0x51: {  	_ =	shalt  }
0x52: {  	_ =	shalt  }
0x53: {  	_ =	shalt  }
0x54: {  	_ =	shalt  }
0x55: {  	_ =	shalt  }
0x56: {  	_ =	shalt  }
0x57: {  	_ =	shalt  }
0x58: {  	_ =	shalt  }
0x59: {  	_ =	shalt  }
0x5a: {  	_ =	shalt  }
0x5b: {  	_ =	shalt  }
0x5c: {  	_ =	shalt  }
0x5d: {  	_ =	shalt  }
0x5e: {  	_ =	shalt  }
0x5f: {  	_ =	shalt  }
0x60: {  	_ =	shalt  }
0x61: {  	_ =	shalt  }
0x62: {  	_ =	shalt  }
0x63: {  	_ =	shalt  }
0x64: {  	_ =	shalt  }
0x65: {  	_ =	shalt  }
0x66: {  	_ =	shalt  }
0x67: {  	_ =	shalt  }
0x68: {  	_ =	shalt  }
0x69: {  	_ =	shalt  }
0x6a: {  	_ =	shalt  }
0x6b: {  	_ =	shalt  }
0x6c: {  	_ =	shalt  }
0x6d: {  	_ =	shalt  }
0x6e: {  	_ =	shalt  }
0x6f: {  	_ =	shalt  }
0x70: {  	_ =	shalt  }
0x71: {  	_ =	shalt  }
0x72: {  	_ =	shalt  }
0x73: {  	_ =	shalt  }
0x74: {  	_ =	shalt  }
0x75: {  	_ =	shalt  }
0x76: {  	_ =	shalt  }
0x77: {  	_ =	shalt  }
0x78: {  	_ =	shalt  }
0x79: {  	_ =	shalt  }
0x7a: {  	_ =	shalt  }
0x7b: {  	_ =	shalt  }
0x7c: {  	_ =	shalt  }
0x7d: {  	_ =	shalt  }
0x7e: {  	_ =	shalt  }
0x7f: {  	_ =	shalt  }
0x80: {  	_ =	shalt  }
0x81: {  	_ =	shalt  }
0x82: {  	_ =	shalt  }
0x83: {  	_ =	shalt  }
0x84: {  	_ =	shalt  }
0x85: {  	_ =	shalt  }
0x86: {  	_ =	shalt  }
0x87: {  	_ =	shalt  }
.Lfunc_end0:
.L_simem_size_0:
called_computation_lowered:
.L_overlay_start_0:
0x88: {  	s2 =	sld [smem:$0x3FD9]  }
0x89: {  	s3 =	sld [smem:$0x3FFE];
	_ =	sdelay $0x1  }
0x8a: {  	s1 =	srdreg.scid  }
0x8b: {  	s0 =	sand.u32 $0x1, s1  }
0x8c: {  	s14 =	sshll.u32 s0, $0xA;
	s2 =	sadd.s32 s3, s2  }
0x8d: {  	s2 =	sadd.s32 s2, s14  }
0x8e: {  	[smem:$0x3FC0] =	sst s2  }
0x8f: {  	_ = 	snop  }
0x90: {  	s2 =	sld [smem:$0x3FD0];
	_ =	sdelay $0x2  }
0x91: {  	s15 =	simm.s32 $0xA;
	s4 =	simm.s32 $0x10  }
0x92: {  	[smem:s4], [sflag:s15] =	dma.local [hbm:s2], $0x1  }
0x93: {  	_ =	swait.eq [sflag:s15], $0x1  }
0x94: {  	[sflag:s15] =	ssyncset.done $0x0  }
0x95: {  	[sflag:s15] =	ssyncadd.s32 $0xFFFFFFFF  }
0x96: {  	s16 =	sld [smem:$0x10];
	(tm) =	ssettm $0x1  }
0x97: {  	s17 =	sld [smem:$0x3FFB];
	_ =	sdelay $0x3  }
0x98: {  	_ =	strace s17  }
0x99: {  	s3 =	sld [smem:$0x3FFC];
	_ =	sdelay $0x3  }
0x9a: {  	_ =	strace s3  }
0x9b: {  	s3 =	sld [smem:$0x3FFD];
	_ =	sdelay $0x3  }
0x9c: {  	_ =	strace s3  }
0x9d: {  	_ =	strace $0x8FFFFFFF  }
0x9e: {  	s18 =	sld [smem:$0x3FDB];
	_ =	sdelay $0x1  }
0x9f: {  	s19 =	simm.s32 $_scs_section_size  }
0xa0: {  	s5 =	simm.s32 $_size__tile_overlayer_lowered;
	s6 =	simm.s32 $_tile_overlayer_lowered  }
0xa1: {  	s22 =	simm.s32 $0x1BFF;
	s21 =	sshll.u32 s6, $0x1;
	s3 =	sadd.s32 s19, s18  }
0xa2: {  	s7 =	simm.s32 $0x0;
	s20 =	sshll.u32 s5, $0x1;
	s5 =	sadd.s32 s21, s3  }
0xa3: {  	[timem:s7], [sflag:s22] =	dma.local [hbm:s5], s20  }
0xa4: {  	_ =	swait.ge [sflag:s22], s20  }
0xa5: {  	s4 =	ssub.s32 $0x0, s20;
	[sflag:s22] =	ssyncset.done $0x0  }
0xa6: {  	[sflag:s22] =	ssyncadd.s32 s4;
	_ =	sdelay $0x1  }
0xa7: {  	s23 =	simm.s32 $0x1B8B  }
0xa8: {  	_ =	swait.ge [sflag:s23], $0x1  }
0xa9: {  	[sflag:s23] =	ssyncset.done $0x0  }
0xaa: {  	s25 =	simm.s32 $0x1B8E;
	s24 =	sld [smem:$0x3FFE];
	[sflag:s23] =	ssyncadd.s32 $0xFFFFFFFF  }
0xab: {  	s26 =	simm.s32 $execute0_lowered;
	[smem:$0x3FD2] =	sst s25  }
0xac: {  	s5 =	sshll.u32 s26, $0x1;
	_ =	strace $0x80000046;
	[dreg:$0x1] =	wrdreg $0xFFFFFFFF  }
0xad: {  	s28 =	simm.s32 $_size_execute0_lowered;
	s3 =	sadd.s32 s3, s5;
	[dreg:$0x0] =	wrdreg $0x0  }
0xae: {  	s5 =	sshll.u32 s28, $0x1;
	[dreg:$0x2] =	wrdreg s3  }
0xaf: {  	[dreg:$0x3] =	wrdreg s5  }
0xb0: {  	[dreg:$0x4] =	wrdreg $0xC0  }
0xb1: {  	_ =	task [dreg:s7], $0x5FFFF  }
0xb2: {  	[dreg:$0x1] =	wrdreg $0xFFFFFFFF  }
0xb3: {  	[dreg:$0x0] =	wrdreg $0x60  }
0xb4: {  	[dreg:$0x2] =	wrdreg s16  }
0xb5: {  	[dreg:$0x3] =	wrdreg s24  }
0xb6: {  	[dreg:$0x4] =	wrdreg $0x1000  }
0xb7: {  	[dreg:$0x5] =	wrdreg $0x9  }
0xb8: {  	_ =	task.clear_ibuf [dreg:s7], $0x6FFFF;
	_ =	strace $0x90000046  }
0xb9: {  	s29 =	simm.s32 $0x9;
	_ =	strace $0x80000048  }
0xba: {  	_ =	swait.ge [sflag:s29], $0x1  }
0xbb: {  	[sflag:s29] =	ssyncadd.s32 $0xFFFFFFFF  }
0xbc: {  	_ =	strace $0x90000048  }
0xbd: {  	_ =	sfence  }
0xbe: {  	s30 =	sld [smem:$0x0];
	_ =	sdelay $0x2  }
0xbf: {  	s31 =	sshll.u32 s1, $0xD;
	s1 =	sshrl.u32 s1, $0x2  }
0xc0: {  	s3 =	sand.u32 $0x4000, s31;
	s1 =	sadd.s32 s1, s30  }
0xc1: {  	s0 =	sor.u32 s3, s0;
	s1 =	sshll.u32 s1, $0x11  }
0xc2: {  	s0 =	sor.u32 s1, s0  }
0xc3: {  	s0 =	sadd.s32 $0x8F2B, s0  }
0xc4: {  	[sflag:s0] =	ssyncadd.remote.s32 $0x1  }
0xc5: {  	_ =	sfence.sel $0xFFFF  }
0xc6: {  	[dreg:$0x0] =	wrdreg $0xFFFFFFFF;
	(pc) =	sbr.abs _section_cstart, $3  }
0xc7: {  	[dreg:$0x1] =	wrdreg $0xFFFFFFFF  }
0xc8: {  	_ =	task.clear_ibuf [dreg:s7], $0x2FFFF;
	_ =	strace $0x9FFFFFFF  }
0xc9: {  	(tm) =	ssettm $0x7FFFFFFF  }
tec
execute0_lowered:
.L_overlay_start_1:
0x0: {  	(tag) =	ssettag $0x1  }
0x1: {  	s6 =	rddreg [dreg:$0x0]  }
0x2: {  	s4 =	rddreg [dreg:$0x1]  }
0x3: {  	s2 =	rddreg [dreg:$0x2]  }
0x4: {  	s0 =	rddreg [dreg:$0x3]  }
0x5: {  	s1 =	stileid.u32;
	s3 =	simm.s32 $0x0;
	s7 =	srdreg.scid  }
0x6: {  	s13 =	simm.s32 $0x10;
	s14 =	simm.s32 $0x0;
	s5 =	smul.u32 $0x280, s1  }
0x7: {  	[smem:$0x7FF] =	sst s3;
	s7 =	sand.u32 $0x1, s7;
	s8 =	smul.u32 $0x500, s1  }
0x8: {  	s30 =	sshll.u32 s1, $0x6;
	s12 =	smul.u32 $0x4F0, s1;
	_ =	strace $0x80000047  }
0x9: {  	s9 =	sshll.u32 s7, $0x7;
	s28 =	ssub.s32 $0x2, s7;
	s7 =	smul.u32 $0x4F00, s7  }
0xa: {  	s10 =	sshrl.u32 s5, $0x3;
	s8 =	sor.u32 s9, s8;
	s11 =	sshrl.u32 s28, $0x1  }
0xb: {  	s29 =	sadd.s32 s5, s2;
	s5 =	sor.u32 $0x1C01, s30;
	s10 =	sadd.s32 s10, s4  }
0xc: {  	s8 =	sshrl.u32 s8, $0x3;
	s9 =	ssub.s32 s28, s11;
	s31 =	sadd.s32 s7, s6  }
0xd: {  	s11 =	simm.s32 $0x80;
	s8 =	sadd.s32 s8, s4;
	s4 =	sadd.s32 $0x2400, s10  }
0xe: {  	s7 =	smax.u32 s9, $0x1;
	s9 =	sshrl.u32 s29, $0x3;
	s10 =	simm.s32 $0x1  }
0xf: {  	v0 =	vimm.f32 $1.000000000e+00;
	s6 =	sadd.s32 $0x2A00, s8;
	s8 =	sadd.s32 s12, s31;
	s12 =	simm.s32 $0x20  }
.LBB2_1:
0x10: {  	[spmem:s9], [sflag:s5] =	dma.local [hbm:s4], $0x50  }
0x11: {  	_ =	swait.ge [sflag:s10], $0x50  }
0x12: {  	[sflag:s10] =	ssyncset.done $0x0  }
0x13: {  	[sflag:s10] =	ssyncadd.s32 $0xFFFFFFB0  }
0x14: {  	[tilespmem:$0x80] =	vst v0  }
0x15: {  	[tilespmem:$0x90] =	vst v0  }
0x16: {  	[tilespmem:$0xA0] =	vst v0  }
0x17: {  	[tilespmem:$0xB0] =	vst v0  }
0x18: {  	[tilespmem:$0xC0] =	vst v0  }
0x19: {  	[tilespmem:$0xD0] =	vst v0  }
0x1a: {  	[tilespmem:$0xE0] =	vst v0  }
0x1b: {  	[tilespmem:$0xF0] =	vst v0  }
0x1c: {  	s15 =	sadd.s32 $0x0, s8;
	[bflag:$0x0] =	sbarrier.arrive $0xFFFF  }
0x1d: {  	[tilespmem:s3], [sflag:$0x1] =	stream.linear.gather [hbm4b:s15+s3], $0x80, $0x38;
	[tilespmem:$0x380] =	vst v63  }
0x1e: {  	_ =	swait.ge [sflag:s10], $0x80  }
0x1f: {  	[sflag:s10] =	ssyncset.done $0x0  }
0x20: {  	[sflag:s10] =	ssyncadd.s32 $0xFFFFFF80  }
0x21: {  	[spmem:s2] =	stream.indirect.scatter.add.f32 [tilespmem:s11], [sflag:$0x1], $0x1, s3, s11, $0xb8;
	[tilespmem:$0x380] =	vst v63  }
0x22: {  	_ =	swait.ge [sflag:s10], $0x80  }
0x23: {  	s16 =	simm.s32 $0x20;
	s15 =	simm.s32 $0x10;
	[sflag:s10] =	ssyncset.done $0x0  }
.LBB2_2:
0x24: {  	s17 =	sadd.s32 s15, s8  }
0x25: {  	[sflag:s10] =	ssyncadd.s32 $0xFFFFFF80;
	s15 =	smov.u32 s16;
	s18 =	sadd.s32 $0x10, s16  }
0x26: {  	[tilespmem:s3], [sflag:$0x1] =	stream.linear.gather [hbm4b:s17+s3], $0x80, $0x38;
	[tilespmem:$0x380] =	vst v63  }
0x27: {  	p0 =	sne.s32 s16, $0x4E0;
	_ =	swait.ge [sflag:s10], $0x80  }
.Ltmp0:
0x28: {  	[sflag:s10] =	ssyncset.done $0x0;
	(pc) =	sbr.rel @p0 .LBB2_2-.Ltmp0, $4  }
0x29: {  	[sflag:s10] =	ssyncadd.s32 $0xFFFFFF80  }
0x2a: {  	[spmem:s2] =	stream.indirect.scatter.add.f32 [tilespmem:s11], [sflag:$0x1], $0x1, s3, s11, $0xb8;
	[tilespmem:$0x380] =	vst v63  }
0x2b: {  	_ =	swait.ge [sflag:s10], $0x80  }
0x2c: {  	s16 =	smov.u32 s18;
	[sflag:s10] =	ssyncset.done $0x0  }
0x2d: {  	s15 =	sadd.s32 s15, s8;
	[sflag:s10] =	ssyncadd.s32 $0xFFFFFF80  }
0x2e: {  	[tilespmem:s3], [sflag:$0x1] =	stream.linear.gather [hbm4b:s15+s3], $0x80, $0x38;
	[tilespmem:$0x380] =	vst v63  }
0x2f: {  	_ =	swait.ge [sflag:s10], $0x80  }
0x30: {  	[sflag:s10] =	ssyncset.done $0x0  }
0x31: {  	[sflag:s10] =	ssyncadd.s32 $0xFFFFFF80  }
0x32: {  	[spmem:s2] =	stream.indirect.scatter.add.f32 [tilespmem:s11], [sflag:$0x1], $0x1, s3, s11, $0xb8;
	[tilespmem:$0x380] =	vst v63  }
0x33: {  	_ =	swait.ge [sflag:s10], $0x80  }
0x34: {  	s14 =	sadd.s32 $0x1, s14;
	[sflag:s10] =	ssyncset.done $0x0  }
0x35: {  	p0 =	sne.s32 s14, s7;
	[sflag:s10] =	ssyncadd.s32 $0xFFFFFF80  }
.Ltmp1:
0x36: {  	[bflag:$0x0] =	sbarrier.arrive $0xFFFF;
	(pc) =	sbr.rel @p0 .LBB2_1-.Ltmp1, $4  }
0x37: {  	[hbm:s6@s12], [sflag:s5] =	dma.strided [spmem:s9@s13], $0x50, s10, $0x10   }
0x38: {  	_ =	swait.ge [sflag:s10], $0x50  }
0x39: {  	[sflag:s10] =	ssyncset.done $0x0  }
0x3a: {  	[sflag:s10] =	ssyncadd.s32 $0xFFFFFFB0  }
0x3b: {  	_ =	sfence.sel $0x180000  }
0x3c: {  	[bflag:$0x0] =	sbarrier.arrive $0xFFFF  }
0x3d: {  	p0 =	sne.s32 s1, $0x0;
	_ =	strace $0x90000047  }
0x3e: {  	s0 =	sadd.s32 @!p0 $0x100000, s0;
	[bflag:$0x2] =	sbarrier.arrive $0xFFFF  }
0x3f: {  	[sflag:s0] =	ssyncadd.tile.s32 @!p0 $0x1;
	_ =	shalt  }
.Lfunc_end2:
_tile_overlayer_lowered:
.L_overlay_start_2:
0x40: {  	(tag) =	ssettag $0x2  }
0x41: {  	s0 =	rddreg [dreg:$0x0];
	s2 =	stileid.u32  }
0x42: {  	s1 =	rddreg [dreg:$0x1];
	p0 =	sne.s32 s2, $0x0  }
0x43: {  	s3 =	rddreg [dreg:$0x2];
	[bflag:$0x3] =	sbarrier.arrive $0xFFFF;
	s2 =	simm.s32 @!p0 $0x1C01  }
0x44: {  	[timem:s3], [sflag:s2] =	dma.local @!p0 [hbm:s0], s1  }
0x45: {  	s0 =	simm.s32 @!p0 $0x1  }
0x46: {  	_ =	swait.ge @!p0 [sflag:s0], s1  }
0x47: {  	s1 =	ssub.s32 @!p0 $0x0, s1;
	[sflag:s0] =	ssyncset.done @!p0 $0x0  }
0x48: {  	[sflag:s0] =	ssyncadd.s32 @!p0 s1  }
0x49: {  	[bflag:$0x3] =	sbarrier.arrive $0xFFFF  }
0x4a: {  	_ =	shalt  }

</sc_bundles>
